<compile_context>
chip_gen: v7x
topology: tpu7x:2x2x1
jax: 0.10.2.dev20260603
libtpu: 0.0.44.dev20260713+nightly
codegen_flags: <defaults>
</compile_context>

<pallas_src>
import jax
import jax.numpy as jnp
from jax import lax
from jax.experimental import pallas as pl
from jax.experimental.pallas import tpu as pltpu
from jax.experimental.pallas import tpu_sc as plsc

N = 100000
D = 256
C = 1000
B = 64
ALPHA = 0.2

W = 2048
WC = 16384
NBC = (N + WC - 1) // WC
NPAD = NBC * WC
NB = NPAD // W


def _sc_gather_labels(i2t_hbm, pri_hbm, idx_hbm, out_hbm, idx_v, res_v, sem):
    cid = lax.axis_index("c")
    sid = lax.axis_index("s")
    is0 = jnp.logical_and(cid == 0, sid == 0)

    @pl.when(is0)
    def _():
        pltpu.sync_copy(idx_hbm, idx_v)
        pltpu.async_copy(i2t_hbm.at[idx_v.at[pl.ds(0, 128)]],
                         res_v.at[pl.ds(0, 128)], sem).wait()
        pltpu.async_copy(pri_hbm.at[idx_v.at[pl.ds(128, 64)]],
                         res_v.at[pl.ds(128, 64)], sem).wait()
        pltpu.sync_copy(res_v, out_hbm)


def _gather_labels(i2t, pri, idx_all):
    mesh = plsc.VectorSubcoreMesh(core_axis_name="c", subcore_axis_name="s", num_cores=2, num_subcores=16)
    return pl.kernel(
        _sc_gather_labels,
        out_type=jax.ShapeDtypeStruct((192,), jnp.int32),
        mesh=mesh,
        compiler_params=pltpu.CompilerParams(needs_layout_passes=False),
        scratch_types=[
            pltpu.VMEM((192,), jnp.int32),
            pltpu.VMEM((192,), jnp.int32),
            pltpu.SemaphoreType.DMA,
        ],
    )(i2t, pri, idx_all)


def _counts_body(i2t_ref, pri_ref, tc_ref, tp_ref, tf_ref, pos_ref, fb_ref):
    row = i2t_ref[...]
    prow = pri_ref[...]
    cur_eq = tc_ref[...] == row
    pri_eq = tp_ref[...] == prow
    posm = jnp.logical_and(cur_eq, jnp.logical_not(pri_eq))
    fbm = tf_ref[...] == row
    posf = jnp.where(posm, 1.0, 0.0)
    fbf = jnp.where(fbm, 1.0, 0.0)
    for s in range(WC // W):
        pos_ref[0, s, :] = jnp.sum(posf[:, s * W:(s + 1) * W], axis=1)
        fb_ref[0, s, :] = jnp.sum(fbf[:, s * W:(s + 1) * W], axis=1)


def _counts(i2t2d, pri2d, tc2d, tp2d, tf2d):
    return pl.pallas_call(
        _counts_body,
        grid=(NBC,),
        in_specs=[
            pl.BlockSpec((1, WC), lambda b: (0, b)),
            pl.BlockSpec((1, WC), lambda b: (0, b)),
            pl.BlockSpec((B, 1), lambda b: (0, 0)),
            pl.BlockSpec((B, 1), lambda b: (0, 0)),
            pl.BlockSpec((B, 1), lambda b: (0, 0)),
        ],
        out_specs=[
            pl.BlockSpec((1, WC // W, B), lambda b: (b, 0, 0)),
            pl.BlockSpec((1, WC // W, B), lambda b: (b, 0, 0)),
        ],
        out_shape=[
            jax.ShapeDtypeStruct((NBC, WC // W, B), jnp.float32),
            jax.ShapeDtypeStruct((NBC, WC // W, B), jnp.float32),
        ],
    )(i2t2d, pri2d, tc2d, tp2d, tf2d)


def _sc_select_body(i2t_hbm, pri_hbm, ef_hbm, prm_hbm,
                    out_hbm, blk_v, pblk_v, prm_v, row_v):
    cid = lax.axis_index("c")
    sid = lax.axis_index("s")
    wid = sid * 2 + cid
    for j in range(2):
        r = wid * 2 + j
        pltpu.sync_copy(prm_hbm.at[r], prm_v)

        def _scal(v):
            return lax.div(jnp.sum(v), jnp.int32(16))

        bstar = _scal(prm_v[pl.ds(0, 16)])
        rank = _scal(prm_v[pl.ds(16, 16)])
        tcur16 = prm_v[pl.ds(32, 16)]
        tpri16 = prm_v[pl.ds(48, 16)]
        tfb16 = prm_v[pl.ds(64, 16)]
        haspos = _scal(prm_v[pl.ds(80, 16)])
        colbase = bstar * W
        pltpu.sync_copy(i2t_hbm.at[bstar], blk_v)
        pltpu.sync_copy(pri_hbm.at[bstar], pblk_v)

        def body(c, carry):
            cum, chosen = carry
            curv = blk_v[pl.ds(c * 16, 16)]
            priv = pblk_v[pl.ds(c * 16, 16)]
            posm = jnp.logical_and(curv == tcur16, priv != tpri16)
            fbm = curv == tfb16
            m = jnp.where(haspos > 0, posm, fbm)
            mi = m.astype(jnp.int32)
            cnt = jnp.sum(mi)
            cs = plsc.cumsum(mi)
            need = rank - cum
            hit = jnp.logical_and(cum < rank, cum + cnt >= rank)
            lanehit = jnp.logical_and(m, cs == need)
            ffs = plsc.all_reduce_ffs(lanehit)
            if ffs.ndim:
                ffs = lax.div(jnp.sum(ffs), jnp.int32(16))
            chosen = jnp.where(hit, colbase + c * 16 + ffs, chosen)
            return cum + cnt, chosen

        _, chosen = lax.fori_loop(0, W // 16, body, (jnp.int32(0), jnp.int32(0)))
        pltpu.sync_copy(ef_hbm.at[chosen], row_v)
        pltpu.sync_copy(row_v, out_hbm.at[r])


def _select_and_gather(i2t_pad2d, pri_pad2d, ef, params):
    mesh = plsc.VectorSubcoreMesh(core_axis_name="c", subcore_axis_name="s", num_cores=2, num_subcores=16)
    return pl.kernel(
        _sc_select_body,
        out_type=jax.ShapeDtypeStruct((B, D), jnp.float32),
        mesh=mesh,
        compiler_params=pltpu.CompilerParams(needs_layout_passes=False),
        scratch_types=[
            pltpu.VMEM((W,), jnp.int32),
            pltpu.VMEM((W,), jnp.int32),
            pltpu.VMEM((96,), jnp.int32),
            pltpu.VMEM((D,), jnp.float32),
        ],
    )(i2t_pad2d, pri_pad2d, ef, params)


_LN1MA = float(__import__("math").log(1.0 - ALPHA))


def _proto_body(tgt_ref, scf_ref, proto_ref, rows_ref, out_ref):
    iota_c = lax.broadcasted_iota(jnp.int32, (C, B), 0)
    oh = iota_c == tgt_ref[...]
    m = jnp.sum(jnp.where(oh, 1.0, 0.0), axis=1, keepdims=True)
    scale_c = jnp.exp(m * _LN1MA)
    ohs = jnp.where(oh, scf_ref[...], 0.0)
    out_ref[...] = proto_ref[...] * scale_c + jnp.dot(
        ohs, rows_ref[...], preferred_element_type=jnp.float32,
        precision=lax.Precision.HIGHEST)


def _proto_update(tgt2d, scf2d, protomemory, rows):
    return pl.pallas_call(
        _proto_body,
        in_specs=[
            pl.BlockSpec((1, B), lambda: (0, 0)),
            pl.BlockSpec((1, B), lambda: (0, 0)),
            pl.BlockSpec((C, D), lambda: (0, 0)),
            pl.BlockSpec((B, D), lambda: (0, 0)),
        ],
        out_specs=pl.BlockSpec((C, D), lambda: (0, 0)),
        out_shape=jax.ShapeDtypeStruct((C, D), jnp.float32),
    )(tgt2d, scf2d, protomemory, rows)


WM = 16384
NBM = (N + WM - 1) // WM


def _masks_body(i2t_ref, pri_ref, ta_ref, tb_ref, tc_ref, tp_ref, eff_ref, neg_ref):
    row = i2t_ref[...]
    prow = pri_ref[...]
    effm = jnp.logical_and(ta_ref[...] == row, tb_ref[...] != prow)
    negm = jnp.logical_and(tp_ref[...] == prow, tc_ref[...] != row)
    eff_ref[...] = jnp.where(effm, 1.0, 0.0)
    neg_ref[...] = jnp.where(negm, 1.0, 0.0)


def _masks(i2t2d, pri2d, ta2d, tb2d, tc2d, tp2d):
    return pl.pallas_call(
        _masks_body,
        grid=(NBM,),
        in_specs=[
            pl.BlockSpec((1, WM), lambda b: (0, b)),
            pl.BlockSpec((1, WM), lambda b: (0, b)),
            pl.BlockSpec((B, 1), lambda b: (0, 0)),
            pl.BlockSpec((B, 1), lambda b: (0, 0)),
            pl.BlockSpec((B, 1), lambda b: (0, 0)),
            pl.BlockSpec((B, 1), lambda b: (0, 0)),
        ],
        out_specs=[
            pl.BlockSpec((B, WM), lambda b: (0, b)),
            pl.BlockSpec((B, WM), lambda b: (0, b)),
        ],
        out_shape=[
            jax.ShapeDtypeStruct((B, N), jnp.float32),
            jax.ShapeDtypeStruct((B, N), jnp.float32),
        ],
    )(i2t2d, pri2d, ta2d, tb2d, tc2d, tp2d)


def kernel(inputs_q, protomemory, targets, indexes, index2targets,
           prior_index2targets, extracted_features):
    i2t = index2targets.astype(jnp.int32)
    pri = prior_index2targets.astype(jnp.int32)
    idx = indexes.astype(jnp.int32)
    tgt = targets.astype(jnp.int32)

    idx_fb = idx - 1 + jnp.where(idx == 0, N, 0).astype(jnp.int32)
    idx_all = jnp.concatenate([idx, idx_fb, idx])

    t_all = _gather_labels(i2t, pri, idx_all)
    t_cur, t_fb, t_pri = t_all[0:B], t_all[B:2 * B], t_all[2 * B:3 * B]

    i2t_pad = jnp.concatenate([i2t, jnp.full((NPAD - N,), -1, jnp.int32)])
    pri_pad = jnp.concatenate([pri, jnp.full((NPAD - N,), -1, jnp.int32)])
    i2t2d = i2t.reshape(1, N)
    pri2d = pri.reshape(1, N)
    tc2d = t_cur.reshape(B, 1)
    tp2d = t_pri.reshape(B, 1)
    tf2d = t_fb.reshape(B, 1)

    pos_cnt, fb_cnt = _counts(i2t_pad.reshape(1, NPAD), pri_pad.reshape(1, NPAD),
                              tc2d, tp2d, tf2d)
    pos_cnt = pos_cnt.reshape(NB, B).astype(jnp.int32)
    fb_cnt = fb_cnt.reshape(NB, B).astype(jnp.int32)

    pos_tot = jnp.sum(pos_cnt, axis=0)
    fb_tot = jnp.sum(fb_cnt, axis=0)
    has_pos = pos_tot > 0
    cnt = jnp.where(has_pos, pos_tot, fb_tot)
    cnt_blocks = jnp.where(has_pos[None, :], pos_cnt, fb_cnt)

    keys = jax.vmap(lambda i: jax.random.fold_in(jax.random.key(42), i))(
        jnp.arange(B, dtype=jnp.int32))
    u = jax.vmap(lambda k: jax.random.uniform(k, (), jnp.float32))(keys)
    cntf = cnt.astype(jnp.float32)
    q = jnp.float32(1.0) / cntf
    r = (cntf * q) * (jnp.float32(1.0) - u)
    k0 = jnp.floor(r / q).astype(jnp.int32)
    cands = k0[:, None] + jnp.arange(-2, 4, dtype=jnp.int32)[None, :]
    ok = jnp.logical_and(cands.astype(jnp.float32) * q[:, None] >= r[:, None],
                         cands >= 1)
    k = jnp.min(jnp.where(ok, cands, cnt[:, None]), axis=1)
    k = jnp.clip(k, 1, cnt)

    cumb = jnp.cumsum(cnt_blocks, axis=0)
    bstar = jnp.argmax(cumb >= k[None, :], axis=0).astype(jnp.int32)
    before = jnp.take_along_axis(
        cumb, jnp.maximum(bstar - 1, 0)[None, :], axis=0)[0]
    before = jnp.where(bstar > 0, before, 0)
    rank = k - before

    hp_i = has_pos.astype(jnp.int32)
    params = jnp.stack([
        bstar, rank, t_cur, t_pri, t_fb, hp_i], axis=0)
    params16 = jnp.broadcast_to(params[:, :, None], (6, B, 16))
    params16 = jnp.transpose(params16, (1, 0, 2)).reshape(B, 96)

    rows = _select_and_gather(i2t_pad.reshape(NB, W), pri_pad.reshape(NB, W),
                              extracted_features, params16)

    ar = jnp.arange(B, dtype=jnp.int32)
    later = jnp.sum(jnp.logical_and(tgt[None, :] == tgt[:, None],
                                    ar[None, :] > ar[:, None]), axis=1)
    scale_f = ALPHA * jnp.power(jnp.float32(1.0 - ALPHA), later.astype(jnp.float32))
    pos_proto = _proto_update(tgt.reshape(1, B), scale_f.reshape(1, B),
                              protomemory, rows)

    ta = jnp.where(has_pos, t_cur, t_fb)
    tb = jnp.where(has_pos, t_pri, jnp.int32(-1))
    eff_mask, neg_mask = _masks(i2t2d, pri2d, ta.reshape(B, 1), tb.reshape(B, 1),
                                tc2d, tp2d)

    return pos_proto, protomemory, eff_mask, neg_mask

# --- scband reference (transcript-rebuilt; emitter-appended) ---
"""Pipeline reference for scband-mixing-contrastive-feature-41016937676879 (READ-ONLY COPY).

The authoritative reference and input builder live on the scoring server;
editing this copy changes nothing except your own understanding.
"""

import jax, jax.numpy as jnp
import numpy as np

N = 100000
D = 256
C = 1000
B = 64
ALPHA = 0.2

def setup_inputs(seed: int = 0):
    key = jax.random.key(seed)
    ks = jax.random.split(key, 7)
    return {
        "inputs_q": jax.random.normal(ks[0], (B, D), dtype=jnp.float32),
        "protomemory": jax.random.normal(ks[1], (C, D), dtype=jnp.float32),
        "targets": jax.random.randint(ks[2], (B,), 0, C),
        "indexes": jax.random.randint(ks[3], (B,), 0, N),
        "index2targets": jax.random.randint(ks[4], (N,), 0, C),
        "prior_index2targets": jax.random.randint(ks[5], (N,), 0, C),
        "extracted_features": jax.random.normal(ks[6], (N, D), dtype=jnp.float32),
    }

def reference(inputs_q, protomemory, targets, indexes, index2targets, prior_index2targets, extracted_features):
    # inputs = inputs_q.clone().detach() -- detached copy, unused in enabled branches
    pos_proto = protomemory  # pos_protomemory = protomemory.clone()
    neg_proto = protomemory  # neg_protomemory = protomemory.clone()
    n = index2targets.shape[0]
    key = jax.random.key(42)
    pos_masks = []
    neg_masks = []
    for i in range(B):
        idx = indexes[i]
        tgt = targets[i]
        # get_hard_samples: label-pair equality over whole memory bank
        cur_pair = (index2targets[idx] == index2targets).astype(jnp.float32)
        pri_pair = (prior_index2targets[idx] == prior_index2targets).astype(jnp.float32)
        diff = cur_pair - pri_pair
        pos_mask = (diff > 0.5).astype(jnp.float32)
        neg_mask = (diff < -0.5).astype(jnp.float32)
        # fallback when no hard positives: samples sharing label of idx-1
        fallback = (index2targets[idx - 1] == index2targets).astype(jnp.float32)
        has_pos = pos_mask.sum() > 0
        eff_pos = jnp.where(has_pos, pos_mask, fallback)
        # np.random.choice over positive index set -> categorical over uniform mask probs
        probs = eff_pos / jnp.maximum(eff_pos.sum(), 1.0)
        ki = jax.random.fold_in(key, i)
        chosen = jax.random.choice(ki, n, p=probs)
        new_positive_feature = extracted_features[chosen]
        # EMA scatter-overwrite into prototype memory (sequential, last-writer wins)
        pos_proto = pos_proto.at[tgt].set(ALPHA * new_positive_feature + (1.0 - ALPHA) * pos_proto[tgt])
        pos_masks.append(eff_pos)
        neg_masks.append(neg_mask)
    # batch_new_positive / batch_new_negative (variable-length index lists in torch)
    # are represented as dense boolean masks [B, N]; nhard_protomemory features are
    # recoverable as extracted_features rows selected by neg_masks.
    return pos_proto, neg_proto, jnp.stack(pos_masks), jnp.stack(neg_masks)

if __name__ == "__main__":
    import jax
    _d = setup_inputs()
    print(jax.jit(kernel)(*tuple(_d.values())))

</pallas_src>

<mosaic_0001>
#map = affine_map<(d0, d1) -> (0, 0)>
module attributes {stable_mosaic.version = 14 : i64} {
  func.func @_sc_select_body(%arg0: i32, %arg1: i32, %arg2: memref<56x2048xi32, #tpu.memory_space<hbm>>, %arg3: memref<56x2048xi32, #tpu.memory_space<hbm>>, %arg4: memref<100000x256xf32, #tpu.memory_space<hbm>>, %arg5: memref<64x96xi32, #tpu.memory_space<hbm>>, %arg6: memref<64x256xf32, #tpu.memory_space<hbm>>, %arg7: memref<2048xi32, #tpu.memory_space<vmem>>, %arg8: memref<2048xi32, #tpu.memory_space<vmem>>, %arg9: memref<96xi32, #tpu.memory_space<vmem>>, %arg10: memref<256xf32, #tpu.memory_space<vmem>>) attributes {dimension_semantics = [#tpu.dimension_semantics<core_parallel>, #tpu.dimension_semantics<subcore_parallel>], iteration_bounds = array<i64: 2, 16>, scalar_prefetch = 0 : i64, scratch_operands = 4 : i64, tpu.core_type = #tpu.core_type<sc_vector_subcore>, window_params = [{transform_indices = #map}, {transform_indices = #map}, {transform_indices = #map}, {transform_indices = #map}, {transform_indices = #map}]} {
    %mul3A = arith.constant 2 : i32
    %mul3A_0 = arith.muli %arg1, %mul3A : i32
    %add3A = arith.addi %mul3A_0, %arg0 : i32
    %mul3A_1 = arith.constant 2 : i32
    %mul3A_2 = arith.muli %add3A, %mul3A_1 : i32
    %add3A_3 = arith.constant 0 : i32
    %add3A_4 = arith.addi %mul3A_2, %add3A_3 : i32
    "tpu.region"() ({
      %run_scoped3A = tpu.sem_alloc : memref<!tpu.dma_semaphore, #tpu.memory_space<semaphore_mem>>
      %dma_start3A = arith.constant 0 : i32
      %dma_start3A_85 = tpu.memref_slice %arg5[%add3A_4, %dma_start3A] : memref<64x96xi32, #tpu.memory_space<hbm>> -> memref<1x96xi32, #tpu.memory_space<hbm>>
      %dma_start3A_86 = tpu.memref_squeeze %dma_start3A_85 : memref<1x96xi32, #tpu.memory_space<hbm>> -> memref<96xi32, #tpu.memory_space<hbm>>
      %dma_start3A_87 = arith.constant 0 : i32
      %dma_start3A_88 = tpu.memref_slice %arg5[%add3A_4, %dma_start3A_87] : memref<64x96xi32, #tpu.memory_space<hbm>> -> memref<1x96xi32, #tpu.memory_space<hbm>>
      %dma_start3A_89 = tpu.memref_squeeze %dma_start3A_88 : memref<1x96xi32, #tpu.memory_space<hbm>> -> memref<96xi32, #tpu.memory_space<hbm>>
      tpu.enqueue_dma source(%dma_start3A_89 : memref<96xi32, #tpu.memory_space<hbm>>) target(%arg9 : memref<96xi32, #tpu.memory_space<vmem>>) target_semaphore(%run_scoped3A : memref<!tpu.dma_semaphore, #tpu.memory_space<semaphore_mem>>)
      %dma_wait3A = arith.constant 0 : i32
      %dma_wait3A_90 = tpu.memref_slice %arg5[%add3A_4, %dma_wait3A] : memref<64x96xi32, #tpu.memory_space<hbm>> -> memref<1x96xi32, #tpu.memory_space<hbm>>
      %dma_wait3A_91 = tpu.memref_squeeze %dma_wait3A_90 : memref<1x96xi32, #tpu.memory_space<hbm>> -> memref<96xi32, #tpu.memory_space<hbm>>
      %dma_wait3A_92 = arith.constant 0 : i32
      %dma_wait3A_93 = tpu.memref_slice %arg5[%add3A_4, %dma_wait3A_92] : memref<64x96xi32, #tpu.memory_space<hbm>> -> memref<1x96xi32, #tpu.memory_space<hbm>>
      %dma_wait3A_94 = tpu.memref_squeeze %dma_wait3A_93 : memref<1x96xi32, #tpu.memory_space<hbm>> -> memref<96xi32, #tpu.memory_space<hbm>>
      tpu.wait_dma2 semaphore(%run_scoped3A : memref<!tpu.dma_semaphore, #tpu.memory_space<semaphore_mem>>) src(%dma_wait3A_94 : memref<96xi32, #tpu.memory_space<hbm>>) dst(%arg9 : memref<96xi32, #tpu.memory_space<vmem>>)
      tpu.yield
    }) : () -> ()
    %get3A = arith.constant 0 : index
    %get3A_5 = tpu.vector_load %arg9[%get3A] {strides = array<i32>} : memref<96xi32, #tpu.memory_space<vmem>>, vector<16xi32>,
    %reduce_sum3A = arith.constant true
    %reduce_sum3A_6 = vector.broadcast %reduce_sum3A : i1 to vector<16xi1>
    %reduce_sum3A_7 = tpu.scan <sum>, %get3A_5 masked %reduce_sum3A_6 : vector<16xi32>, vector<16xi1> -> vector<16xi32>
    %reduce_sum3A_8 = vector.extract %reduce_sum3A_7[15] : i32 from vector<16xi32>
    %div3A = arith.constant 16 : i32
    %div3A_9 = arith.divsi %reduce_sum3A_8, %div3A : i32
    %get3A_10 = arith.constant 16 : index
    %get3A_11 = tpu.vector_load %arg9[%get3A_10] {strides = array<i32>} : memref<96xi32, #tpu.memory_space<vmem>>, vector<16xi32>,
    %reduce_sum3A_12 = arith.constant true
    %reduce_sum3A_13 = vector.broadcast %reduce_sum3A_12 : i1 to vector<16xi1>
    %reduce_sum3A_14 = tpu.scan <sum>, %get3A_11 masked %reduce_sum3A_13 : vector<16xi32>, vector<16xi1> -> vector<16xi32>
    %reduce_sum3A_15 = vector.extract %reduce_sum3A_14[15] : i32 from vector<16xi32>
    %div3A_16 = arith.constant 16 : i32
    %div3A_17 = arith.divsi %reduce_sum3A_15, %div3A_16 : i32
    %get3A_18 = arith.constant 32 : index
    %get3A_19 = tpu.vector_load %arg9[%get3A_18] {strides = array<i32>} : memref<96xi32, #tpu.memory_space<vmem>>, vector<16xi32>,
    %get3A_20 = arith.constant 48 : index
    %get3A_21 = tpu.vector_load %arg9[%get3A_20] {strides = array<i32>} : memref<96xi32, #tpu.memory_space<vmem>>, vector<16xi32>,
    %get3A_22 = arith.constant 64 : index
    %get3A_23 = tpu.vector_load %arg9[%get3A_22] {strides = array<i32>} : memref<96xi32, #tpu.memory_space<vmem>>, vector<16xi32>,
    %get3A_24 = arith.constant 80 : index
    %get3A_25 = tpu.vector_load %arg9[%get3A_24] {strides = array<i32>} : memref<96xi32, #tpu.memory_space<vmem>>, vector<16xi32>,
    %reduce_sum3A_26 = arith.constant true
    %reduce_sum3A_27 = vector.broadcast %reduce_sum3A_26 : i1 to vector<16xi1>
    %reduce_sum3A_28 = tpu.scan <sum>, %get3A_25 masked %reduce_sum3A_27 : vector<16xi32>, vector<16xi1> -> vector<16xi32>
    %reduce_sum3A_29 = vector.extract %reduce_sum3A_28[15] : i32 from vector<16xi32>
    %div3A_30 = arith.constant 16 : i32
    %div3A_31 = arith.divsi %reduce_sum3A_29, %div3A_30 : i32
    %mul3A_32 = arith.constant 2048 : i32
    %mul3A_33 = arith.muli %div3A_9, %mul3A_32 : i32
    "tpu.region"() ({
      %run_scoped3A = tpu.sem_alloc : memref<!tpu.dma_semaphore, #tpu.memory_space<semaphore_mem>>
      %dma_start3A = arith.constant 0 : i32
      %dma_start3A_85 = tpu.memref_slice %arg2[%div3A_9, %dma_start3A] : memref<56x2048xi32, #tpu.memory_space<hbm>> -> memref<1x2048xi32, #tpu.memory_space<hbm>>
      %dma_start3A_86 = tpu.memref_squeeze %dma_start3A_85 : memref<1x2048xi32, #tpu.memory_space<hbm>> -> memref<2048xi32, #tpu.memory_space<hbm>>
      %dma_start3A_87 = arith.constant 0 : i32
      %dma_start3A_88 = tpu.memref_slice %arg2[%div3A_9, %dma_start3A_87] : memref<56x2048xi32, #tpu.memory_space<hbm>> -> memref<1x2048xi32, #tpu.memory_space<hbm>>
      %dma_start3A_89 = tpu.memref_squeeze %dma_start3A_88 : memref<1x2048xi32, #tpu.memory_space<hbm>> -> memref<2048xi32, #tpu.memory_space<hbm>>
      tpu.enqueue_dma source(%dma_start3A_89 : memref<2048xi32, #tpu.memory_space<hbm>>) target(%arg7 : memref<2048xi32, #tpu.memory_space<vmem>>) target_semaphore(%run_scoped3A : memref<!tpu.dma_semaphore, #tpu.memory_space<semaphore_mem>>)
      %dma_wait3A = arith.constant 0 : i32
      %dma_wait3A_90 = tpu.memref_slice %arg2[%div3A_9, %dma_wait3A] : memref<56x2048xi32, #tpu.memory_space<hbm>> -> memref<1x2048xi32, #tpu.memory_space<hbm>>
      %dma_wait3A_91 = tpu.memref_squeeze %dma_wait3A_90 : memref<1x2048xi32, #tpu.memory_space<hbm>> -> memref<2048xi32, #tpu.memory_space<hbm>>
      %dma_wait3A_92 = arith.constant 0 : i32
      %dma_wait3A_93 = tpu.memref_slice %arg2[%div3A_9, %dma_wait3A_92] : memref<56x2048xi32, #tpu.memory_space<hbm>> -> memref<1x2048xi32, #tpu.memory_space<hbm>>
      %dma_wait3A_94 = tpu.memref_squeeze %dma_wait3A_93 : memref<1x2048xi32, #tpu.memory_space<hbm>> -> memref<2048xi32, #tpu.memory_space<hbm>>
      tpu.wait_dma2 semaphore(%run_scoped3A : memref<!tpu.dma_semaphore, #tpu.memory_space<semaphore_mem>>) src(%dma_wait3A_94 : memref<2048xi32, #tpu.memory_space<hbm>>) dst(%arg7 : memref<2048xi32, #tpu.memory_space<vmem>>)
      tpu.yield
    }) : () -> ()
    "tpu.region"() ({
      %run_scoped3A = tpu.sem_alloc : memref<!tpu.dma_semaphore, #tpu.memory_space<semaphore_mem>>
      %dma_start3A = arith.constant 0 : i32
      %dma_start3A_85 = tpu.memref_slice %arg3[%div3A_9, %dma_start3A] : memref<56x2048xi32, #tpu.memory_space<hbm>> -> memref<1x2048xi32, #tpu.memory_space<hbm>>
      %dma_start3A_86 = tpu.memref_squeeze %dma_start3A_85 : memref<1x2048xi32, #tpu.memory_space<hbm>> -> memref<2048xi32, #tpu.memory_space<hbm>>
      %dma_start3A_87 = arith.constant 0 : i32
      %dma_start3A_88 = tpu.memref_slice %arg3[%div3A_9, %dma_start3A_87] : memref<56x2048xi32, #tpu.memory_space<hbm>> -> memref<1x2048xi32, #tpu.memory_space<hbm>>
      %dma_start3A_89 = tpu.memref_squeeze %dma_start3A_88 : memref<1x2048xi32, #tpu.memory_space<hbm>> -> memref<2048xi32, #tpu.memory_space<hbm>>
      tpu.enqueue_dma source(%dma_start3A_89 : memref<2048xi32, #tpu.memory_space<hbm>>) target(%arg8 : memref<2048xi32, #tpu.memory_space<vmem>>) target_semaphore(%run_scoped3A : memref<!tpu.dma_semaphore, #tpu.memory_space<semaphore_mem>>)
      %dma_wait3A = arith.constant 0 : i32
      %dma_wait3A_90 = tpu.memref_slice %arg3[%div3A_9, %dma_wait3A] : memref<56x2048xi32, #tpu.memory_space<hbm>> -> memref<1x2048xi32, #tpu.memory_space<hbm>>
      %dma_wait3A_91 = tpu.memref_squeeze %dma_wait3A_90 : memref<1x2048xi32, #tpu.memory_space<hbm>> -> memref<2048xi32, #tpu.memory_space<hbm>>
      %dma_wait3A_92 = arith.constant 0 : i32
      %dma_wait3A_93 = tpu.memref_slice %arg3[%div3A_9, %dma_wait3A_92] : memref<56x2048xi32, #tpu.memory_space<hbm>> -> memref<1x2048xi32, #tpu.memory_space<hbm>>
      %dma_wait3A_94 = tpu.memref_squeeze %dma_wait3A_93 : memref<1x2048xi32, #tpu.memory_space<hbm>> -> memref<2048xi32, #tpu.memory_space<hbm>>
      tpu.wait_dma2 semaphore(%run_scoped3A : memref<!tpu.dma_semaphore, #tpu.memory_space<semaphore_mem>>) src(%dma_wait3A_94 : memref<2048xi32, #tpu.memory_space<hbm>>) dst(%arg8 : memref<2048xi32, #tpu.memory_space<vmem>>)
      tpu.yield
    }) : () -> ()
    %scan3A = arith.constant 0 : i32
    %scan3A_34 = arith.constant 0 : i32
    %scan3A_35 = arith.constant 0 : i32
    %scan3A_36 = arith.constant 128 : i32
    %scan3A_37 = arith.addi %scan3A_35, %scan3A_36 : i32
    %scan3A_38 = arith.constant 1 : i32
    %scan3A_39:2 = scf.for %scan3A_85 = %scan3A_35 to %scan3A_37 step %scan3A_38 iter_args(%scan3A_86 = %scan3A, %scan3A_87 = %scan3A_34) -> (i32, i32)  : i32 {
      %mul3A_88 = arith.constant 16 : i32
      %mul3A_89 = arith.muli %scan3A_85, %mul3A_88 : i32
      %get3A_90 = arith.index_cast %mul3A_89 : i32 to index
      %get3A_91 = tpu.vector_load %arg7[%get3A_90] {strides = array<i32>} : memref<2048xi32, #tpu.memory_space<vmem>>, vector<16xi32>,
      %mul3A_92 = arith.constant 16 : i32
      %mul3A_93 = arith.muli %scan3A_85, %mul3A_92 : i32
      %get3A_94 = arith.index_cast %mul3A_93 : i32 to index
      %get3A_95 = tpu.vector_load %arg8[%get3A_94] {strides = array<i32>} : memref<2048xi32, #tpu.memory_space<vmem>>, vector<16xi32>,
      %eq3A = arith.cmpi eq, %get3A_91, %get3A_19 : vector<16xi32>
      %ne3A = arith.cmpi ne, %get3A_95, %get3A_21 : vector<16xi32>
      %and3A = arith.andi %eq3A, %ne3A : vector<16xi1>
      %eq3A_96 = arith.cmpi eq, %get3A_91, %get3A_23 : vector<16xi32>
      %gt3A = arith.constant 0 : i32
      %gt3A_97 = arith.cmpi sgt, %div3A_31, %gt3A : i32
      %select_n3A = arith.select %gt3A_97, %and3A, %eq3A_96 : vector<16xi1>
      %convert_element_type3A = arith.extui %select_n3A : vector<16xi1> to vector<16xi32>
      %reduce_sum3A_98 = arith.constant true
      %reduce_sum3A_99 = vector.broadcast %reduce_sum3A_98 : i1 to vector<16xi1>
      %reduce_sum3A_100 = tpu.scan <sum>, %convert_element_type3A masked %reduce_sum3A_99 : vector<16xi32>, vector<16xi1> -> vector<16xi32>
      %reduce_sum3A_101 = vector.extract %reduce_sum3A_100[15] : i32 from vector<16xi32>
      %broadcast_in_dim3A = arith.constant true
      %broadcast_in_dim3A_102 = vector.broadcast %broadcast_in_dim3A : i1 to vector<16xi1>
      %masked_cumsum3A = tpu.scan <sum>, %convert_element_type3A masked %broadcast_in_dim3A_102 : vector<16xi32>, vector<16xi1> -> vector<16xi32>
      %sub3A = arith.subi %div3A_17, %scan3A_86 : i32
      %lt3A = arith.cmpi slt, %scan3A_86, %div3A_17 : i32
      %add3A_103 = arith.addi %scan3A_86, %reduce_sum3A_101 : i32
      %ge3A = arith.cmpi sge, %add3A_103, %div3A_17 : i32
      %and3A_104 = arith.andi %lt3A, %ge3A : i1
      %eq3A_105 = vector.broadcast %sub3A : i32 to vector<16xi32>
      %eq3A_106 = arith.cmpi eq, %masked_cumsum3A, %eq3A_105 : vector<16xi32>
      %and3A_107 = arith.andi %select_n3A, %eq3A_106 : vector<16xi1>
      %all_reduce_ffs3A = tpu.all_reduce %and3A_107 {dim = 0 : i64, kind = #tpu.reduction_kind<find_first_set>} : vector<16xi1> -> vector<16xi32>
      %reduce_sum3A_108 = arith.constant true
      %reduce_sum3A_109 = vector.broadcast %reduce_sum3A_108 : i1 to vector<16xi1>
      %reduce_sum3A_110 = tpu.scan <sum>, %all_reduce_ffs3A masked %reduce_sum3A_109 : vector<16xi32>, vector<16xi1> -> vector<16xi32>
      %reduce_sum3A_111 = vector.extract %reduce_sum3A_110[15] : i32 from vector<16xi32>
      %div3A_112 = arith.constant 16 : i32
      %div3A_113 = arith.divsi %reduce_sum3A_111, %div3A_112 : i32
      %mul3A_114 = arith.constant 16 : i32
      %mul3A_115 = arith.muli %scan3A_85, %mul3A_114 : i32
      %add3A_116 = arith.addi %mul3A_33, %mul3A_115 : i32
      %add3A_117 = arith.addi %add3A_116, %div3A_113 : i32
      %select_n3A_118 = arith.select %and3A_104, %add3A_117, %scan3A_87 : i32
      %add3A_119 = arith.addi %scan3A_86, %reduce_sum3A_101 : i32
      scf.yield %add3A_119, %select_n3A_118 : i32, i32
    }
    %scan3A_40 = arith.constant 128 : i32
    "tpu.region"() ({
      %run_scoped3A = tpu.sem_alloc : memref<!tpu.dma_semaphore, #tpu.memory_space<semaphore_mem>>
      %dma_start3A = arith.constant 0 : i32
      %dma_start3A_85 = tpu.memref_slice %arg4[%scan3A_39#1, %dma_start3A] : memref<100000x256xf32, #tpu.memory_space<hbm>> -> memref<1x256xf32, #tpu.memory_space<hbm>>
      %dma_start3A_86 = tpu.memref_squeeze %dma_start3A_85 : memref<1x256xf32, #tpu.memory_space<hbm>> -> memref<256xf32, #tpu.memory_space<hbm>>
      %dma_start3A_87 = arith.constant 0 : i32
      %dma_start3A_88 = tpu.memref_slice %arg4[%scan3A_39#1, %dma_start3A_87] : memref<100000x256xf32, #tpu.memory_space<hbm>> -> memref<1x256xf32, #tpu.memory_space<hbm>>
      %dma_start3A_89 = tpu.memref_squeeze %dma_start3A_88 : memref<1x256xf32, #tpu.memory_space<hbm>> -> memref<256xf32, #tpu.memory_space<hbm>>
      tpu.enqueue_dma source(%dma_start3A_89 : memref<256xf32, #tpu.memory_space<hbm>>) target(%arg10 : memref<256xf32, #tpu.memory_space<vmem>>) target_semaphore(%run_scoped3A : memref<!tpu.dma_semaphore, #tpu.memory_space<semaphore_mem>>)
      %dma_wait3A = arith.constant 0 : i32
      %dma_wait3A_90 = tpu.memref_slice %arg4[%scan3A_39#1, %dma_wait3A] : memref<100000x256xf32, #tpu.memory_space<hbm>> -> memref<1x256xf32, #tpu.memory_space<hbm>>
      %dma_wait3A_91 = tpu.memref_squeeze %dma_wait3A_90 : memref<1x256xf32, #tpu.memory_space<hbm>> -> memref<256xf32, #tpu.memory_space<hbm>>
      %dma_wait3A_92 = arith.constant 0 : i32
      %dma_wait3A_93 = tpu.memref_slice %arg4[%scan3A_39#1, %dma_wait3A_92] : memref<100000x256xf32, #tpu.memory_space<hbm>> -> memref<1x256xf32, #tpu.memory_space<hbm>>
      %dma_wait3A_94 = tpu.memref_squeeze %dma_wait3A_93 : memref<1x256xf32, #tpu.memory_space<hbm>> -> memref<256xf32, #tpu.memory_space<hbm>>
      tpu.wait_dma2 semaphore(%run_scoped3A : memref<!tpu.dma_semaphore, #tpu.memory_space<semaphore_mem>>) src(%dma_wait3A_94 : memref<256xf32, #tpu.memory_space<hbm>>) dst(%arg10 : memref<256xf32, #tpu.memory_space<vmem>>)
      tpu.yield
    }) : () -> ()
    "tpu.region"() ({
      %run_scoped3A = tpu.sem_alloc : memref<!tpu.dma_semaphore, #tpu.memory_space<semaphore_mem>>
      %dma_start3A = arith.constant 0 : i32
      %dma_start3A_85 = tpu.memref_slice %arg6[%add3A_4, %dma_start3A] : memref<64x256xf32, #tpu.memory_space<hbm>> -> memref<1x256xf32, #tpu.memory_space<hbm>>
      %dma_start3A_86 = tpu.memref_squeeze %dma_start3A_85 : memref<1x256xf32, #tpu.memory_space<hbm>> -> memref<256xf32, #tpu.memory_space<hbm>>
      %dma_start3A_87 = arith.constant 0 : i32
      %dma_start3A_88 = tpu.memref_slice %arg6[%add3A_4, %dma_start3A_87] : memref<64x256xf32, #tpu.memory_space<hbm>> -> memref<1x256xf32, #tpu.memory_space<hbm>>
      %dma_start3A_89 = tpu.memref_squeeze %dma_start3A_88 : memref<1x256xf32, #tpu.memory_space<hbm>> -> memref<256xf32, #tpu.memory_space<hbm>>
      tpu.enqueue_dma source(%arg10 : memref<256xf32, #tpu.memory_space<vmem>>) target(%dma_start3A_89 : memref<256xf32, #tpu.memory_space<hbm>>) target_semaphore(%run_scoped3A : memref<!tpu.dma_semaphore, #tpu.memory_space<semaphore_mem>>)
      %dma_wait3A = arith.constant 0 : i32
      %dma_wait3A_90 = tpu.memref_slice %arg6[%add3A_4, %dma_wait3A] : memref<64x256xf32, #tpu.memory_space<hbm>> -> memref<1x256xf32, #tpu.memory_space<hbm>>
      %dma_wait3A_91 = tpu.memref_squeeze %dma_wait3A_90 : memref<1x256xf32, #tpu.memory_space<hbm>> -> memref<256xf32, #tpu.memory_space<hbm>>
      %dma_wait3A_92 = arith.constant 0 : i32
      %dma_wait3A_93 = tpu.memref_slice %arg6[%add3A_4, %dma_wait3A_92] : memref<64x256xf32, #tpu.memory_space<hbm>> -> memref<1x256xf32, #tpu.memory_space<hbm>>
      %dma_wait3A_94 = tpu.memref_squeeze %dma_wait3A_93 : memref<1x256xf32, #tpu.memory_space<hbm>> -> memref<256xf32, #tpu.memory_space<hbm>>
      tpu.wait_dma2 semaphore(%run_scoped3A : memref<!tpu.dma_semaphore, #tpu.memory_space<semaphore_mem>>) src(%arg10 : memref<256xf32, #tpu.memory_space<vmem>>) dst(%dma_wait3A_94 : memref<256xf32, #tpu.memory_space<hbm>>)
      tpu.yield
    }) : () -> ()
    %mul3A_41 = arith.constant 2 : i32
    %mul3A_42 = arith.muli %add3A, %mul3A_41 : i32
    %add3A_43 = arith.constant 1 : i32
    %add3A_44 = arith.addi %mul3A_42, %add3A_43 : i32
    "tpu.region"() ({
      %run_scoped3A = tpu.sem_alloc : memref<!tpu.dma_semaphore, #tpu.memory_space<semaphore_mem>>
      %dma_start3A = arith.constant 0 : i32
      %dma_start3A_85 = tpu.memref_slice %arg5[%add3A_44, %dma_start3A] : memref<64x96xi32, #tpu.memory_space<hbm>> -> memref<1x96xi32, #tpu.memory_space<hbm>>
      %dma_start3A_86 = tpu.memref_squeeze %dma_start3A_85 : memref<1x96xi32, #tpu.memory_space<hbm>> -> memref<96xi32, #tpu.memory_space<hbm>>
      %dma_start3A_87 = arith.constant 0 : i32
      %dma_start3A_88 = tpu.memref_slice %arg5[%add3A_44, %dma_start3A_87] : memref<64x96xi32, #tpu.memory_space<hbm>> -> memref<1x96xi32, #tpu.memory_space<hbm>>
      %dma_start3A_89 = tpu.memref_squeeze %dma_start3A_88 : memref<1x96xi32, #tpu.memory_space<hbm>> -> memref<96xi32, #tpu.memory_space<hbm>>
      tpu.enqueue_dma source(%dma_start3A_89 : memref<96xi32, #tpu.memory_space<hbm>>) target(%arg9 : memref<96xi32, #tpu.memory_space<vmem>>) target_semaphore(%run_scoped3A : memref<!tpu.dma_semaphore, #tpu.memory_space<semaphore_mem>>)
      %dma_wait3A = arith.constant 0 : i32
      %dma_wait3A_90 = tpu.memref_slice %arg5[%add3A_44, %dma_wait3A] : memref<64x96xi32, #tpu.memory_space<hbm>> -> memref<1x96xi32, #tpu.memory_space<hbm>>
      %dma_wait3A_91 = tpu.memref_squeeze %dma_wait3A_90 : memref<1x96xi32, #tpu.memory_space<hbm>> -> memref<96xi32, #tpu.memory_space<hbm>>
      %dma_wait3A_92 = arith.constant 0 : i32
      %dma_wait3A_93 = tpu.memref_slice %arg5[%add3A_44, %dma_wait3A_92] : memref<64x96xi32, #tpu.memory_space<hbm>> -> memref<1x96xi32, #tpu.memory_space<hbm>>
      %dma_wait3A_94 = tpu.memref_squeeze %dma_wait3A_93 : memref<1x96xi32, #tpu.memory_space<hbm>> -> memref<96xi32, #tpu.memory_space<hbm>>
      tpu.wait_dma2 semaphore(%run_scoped3A : memref<!tpu.dma_semaphore, #tpu.memory_space<semaphore_mem>>) src(%dma_wait3A_94 : memref<96xi32, #tpu.memory_space<hbm>>) dst(%arg9 : memref<96xi32, #tpu.memory_space<vmem>>)
      tpu.yield
    }) : () -> ()
    %get3A_45 = arith.constant 0 : index
    %get3A_46 = tpu.vector_load %arg9[%get3A_45] {strides = array<i32>} : memref<96xi32, #tpu.memory_space<vmem>>, vector<16xi32>,
    %reduce_sum3A_47 = arith.constant true
    %reduce_sum3A_48 = vector.broadcast %reduce_sum3A_47 : i1 to vector<16xi1>
    %reduce_sum3A_49 = tpu.scan <sum>, %get3A_46 masked %reduce_sum3A_48 : vector<16xi32>, vector<16xi1> -> vector<16xi32>
    %reduce_sum3A_50 = vector.extract %reduce_sum3A_49[15] : i32 from vector<16xi32>
    %div3A_51 = arith.constant 16 : i32
    %div3A_52 = arith.divsi %reduce_sum3A_50, %div3A_51 : i32
    %get3A_53 = arith.constant 16 : index
    %get3A_54 = tpu.vector_load %arg9[%get3A_53] {strides = array<i32>} : memref<96xi32, #tpu.memory_space<vmem>>, vector<16xi32>,
    %reduce_sum3A_55 = arith.constant true
    %reduce_sum3A_56 = vector.broadcast %reduce_sum3A_55 : i1 to vector<16xi1>
    %reduce_sum3A_57 = tpu.scan <sum>, %get3A_54 masked %reduce_sum3A_56 : vector<16xi32>, vector<16xi1> -> vector<16xi32>
    %reduce_sum3A_58 = vector.extract %reduce_sum3A_57[15] : i32 from vector<16xi32>
    %div3A_59 = arith.constant 16 : i32
    %div3A_60 = arith.divsi %reduce_sum3A_58, %div3A_59 : i32
    %get3A_61 = arith.constant 32 : index
    %get3A_62 = tpu.vector_load %arg9[%get3A_61] {strides = array<i32>} : memref<96xi32, #tpu.memory_space<vmem>>, vector<16xi32>,
    %get3A_63 = arith.constant 48 : index
    %get3A_64 = tpu.vector_load %arg9[%get3A_63] {strides = array<i32>} : memref<96xi32, #tpu.memory_space<vmem>>, vector<16xi32>,
    %get3A_65 = arith.constant 64 : index
    %get3A_66 = tpu.vector_load %arg9[%get3A_65] {strides = array<i32>} : memref<96xi32, #tpu.memory_space<vmem>>, vector<16xi32>,
    %get3A_67 = arith.constant 80 : index
    %get3A_68 = tpu.vector_load %arg9[%get3A_67] {strides = array<i32>} : memref<96xi32, #tpu.memory_space<vmem>>, vector<16xi32>,
    %reduce_sum3A_69 = arith.constant true
    %reduce_sum3A_70 = vector.broadcast %reduce_sum3A_69 : i1 to vector<16xi1>
    %reduce_sum3A_71 = tpu.scan <sum>, %get3A_68 masked %reduce_sum3A_70 : vector<16xi32>, vector<16xi1> -> vector<16xi32>
    %reduce_sum3A_72 = vector.extract %reduce_sum3A_71[15] : i32 from vector<16xi32>
    %div3A_73 = arith.constant 16 : i32
    %div3A_74 = arith.divsi %reduce_sum3A_72, %div3A_73 : i32
    %mul3A_75 = arith.constant 2048 : i32
    %mul3A_76 = arith.muli %div3A_52, %mul3A_75 : i32
    "tpu.region"() ({
      %run_scoped3A = tpu.sem_alloc : memref<!tpu.dma_semaphore, #tpu.memory_space<semaphore_mem>>
      %dma_start3A = arith.constant 0 : i32
      %dma_start3A_85 = tpu.memref_slice %arg2[%div3A_52, %dma_start3A] : memref<56x2048xi32, #tpu.memory_space<hbm>> -> memref<1x2048xi32, #tpu.memory_space<hbm>>
      %dma_start3A_86 = tpu.memref_squeeze %dma_start3A_85 : memref<1x2048xi32, #tpu.memory_space<hbm>> -> memref<2048xi32, #tpu.memory_space<hbm>>
      %dma_start3A_87 = arith.constant 0 : i32
      %dma_start3A_88 = tpu.memref_slice %arg2[%div3A_52, %dma_start3A_87] : memref<56x2048xi32, #tpu.memory_space<hbm>> -> memref<1x2048xi32, #tpu.memory_space<hbm>>
      %dma_start3A_89 = tpu.memref_squeeze %dma_start3A_88 : memref<1x2048xi32, #tpu.memory_space<hbm>> -> memref<2048xi32, #tpu.memory_space<hbm>>
      tpu.enqueue_dma source(%dma_start3A_89 : memref<2048xi32, #tpu.memory_space<hbm>>) target(%arg7 : memref<2048xi32, #tpu.memory_space<vmem>>) target_semaphore(%run_scoped3A : memref<!tpu.dma_semaphore, #tpu.memory_space<semaphore_mem>>)
      %dma_wait3A = arith.constant 0 : i32
      %dma_wait3A_90 = tpu.memref_slice %arg2[%div3A_52, %dma_wait3A] : memref<56x2048xi32, #tpu.memory_space<hbm>> -> memref<1x2048xi32, #tpu.memory_space<hbm>>
      %dma_wait3A_91 = tpu.memref_squeeze %dma_wait3A_90 : memref<1x2048xi32, #tpu.memory_space<hbm>> -> memref<2048xi32, #tpu.memory_space<hbm>>
      %dma_wait3A_92 = arith.constant 0 : i32
      %dma_wait3A_93 = tpu.memref_slice %arg2[%div3A_52, %dma_wait3A_92] : memref<56x2048xi32, #tpu.memory_space<hbm>> -> memref<1x2048xi32, #tpu.memory_space<hbm>>
      %dma_wait3A_94 = tpu.memref_squeeze %dma_wait3A_93 : memref<1x2048xi32, #tpu.memory_space<hbm>> -> memref<2048xi32, #tpu.memory_space<hbm>>
      tpu.wait_dma2 semaphore(%run_scoped3A : memref<!tpu.dma_semaphore, #tpu.memory_space<semaphore_mem>>) src(%dma_wait3A_94 : memref<2048xi32, #tpu.memory_space<hbm>>) dst(%arg7 : memref<2048xi32, #tpu.memory_space<vmem>>)
      tpu.yield
    }) : () -> ()
    "tpu.region"() ({
      %run_scoped3A = tpu.sem_alloc : memref<!tpu.dma_semaphore, #tpu.memory_space<semaphore_mem>>
      %dma_start3A = arith.constant 0 : i32
      %dma_start3A_85 = tpu.memref_slice %arg3[%div3A_52, %dma_start3A] : memref<56x2048xi32, #tpu.memory_space<hbm>> -> memref<1x2048xi32, #tpu.memory_space<hbm>>
      %dma_start3A_86 = tpu.memref_squeeze %dma_start3A_85 : memref<1x2048xi32, #tpu.memory_space<hbm>> -> memref<2048xi32, #tpu.memory_space<hbm>>
      %dma_start3A_87 = arith.constant 0 : i32
      %dma_start3A_88 = tpu.memref_slice %arg3[%div3A_52, %dma_start3A_87] : memref<56x2048xi32, #tpu.memory_space<hbm>> -> memref<1x2048xi32, #tpu.memory_space<hbm>>
      %dma_start3A_89 = tpu.memref_squeeze %dma_start3A_88 : memref<1x2048xi32, #tpu.memory_space<hbm>> -> memref<2048xi32, #tpu.memory_space<hbm>>
      tpu.enqueue_dma source(%dma_start3A_89 : memref<2048xi32, #tpu.memory_space<hbm>>) target(%arg8 : memref<2048xi32, #tpu.memory_space<vmem>>) target_semaphore(%run_scoped3A : memref<!tpu.dma_semaphore, #tpu.memory_space<semaphore_mem>>)
      %dma_wait3A = arith.constant 0 : i32
      %dma_wait3A_90 = tpu.memref_slice %arg3[%div3A_52, %dma_wait3A] : memref<56x2048xi32, #tpu.memory_space<hbm>> -> memref<1x2048xi32, #tpu.memory_space<hbm>>
      %dma_wait3A_91 = tpu.memref_squeeze %dma_wait3A_90 : memref<1x2048xi32, #tpu.memory_space<hbm>> -> memref<2048xi32, #tpu.memory_space<hbm>>
      %dma_wait3A_92 = arith.constant 0 : i32
      %dma_wait3A_93 = tpu.memref_slice %arg3[%div3A_52, %dma_wait3A_92] : memref<56x2048xi32, #tpu.memory_space<hbm>> -> memref<1x2048xi32, #tpu.memory_space<hbm>>
      %dma_wait3A_94 = tpu.memref_squeeze %dma_wait3A_93 : memref<1x2048xi32, #tpu.memory_space<hbm>> -> memref<2048xi32, #tpu.memory_space<hbm>>
      tpu.wait_dma2 semaphore(%run_scoped3A : memref<!tpu.dma_semaphore, #tpu.memory_space<semaphore_mem>>) src(%dma_wait3A_94 : memref<2048xi32, #tpu.memory_space<hbm>>) dst(%arg8 : memref<2048xi32, #tpu.memory_space<vmem>>)
      tpu.yield
    }) : () -> ()
    %scan3A_77 = arith.constant 0 : i32
    %scan3A_78 = arith.constant 0 : i32
    %scan3A_79 = arith.constant 0 : i32
    %scan3A_80 = arith.constant 128 : i32
    %scan3A_81 = arith.addi %scan3A_79, %scan3A_80 : i32
    %scan3A_82 = arith.constant 1 : i32
    %scan3A_83:2 = scf.for %scan3A_85 = %scan3A_79 to %scan3A_81 step %scan3A_82 iter_args(%scan3A_86 = %scan3A_77, %scan3A_87 = %scan3A_78) -> (i32, i32)  : i32 {
      %mul3A_88 = arith.constant 16 : i32
      %mul3A_89 = arith.muli %scan3A_85, %mul3A_88 : i32
      %get3A_90 = arith.index_cast %mul3A_89 : i32 to index
      %get3A_91 = tpu.vector_load %arg7[%get3A_90] {strides = array<i32>} : memref<2048xi32, #tpu.memory_space<vmem>>, vector<16xi32>,
      %mul3A_92 = arith.constant 16 : i32
      %mul3A_93 = arith.muli %scan3A_85, %mul3A_92 : i32
      %get3A_94 = arith.index_cast %mul3A_93 : i32 to index
      %get3A_95 = tpu.vector_load %arg8[%get3A_94] {strides = array<i32>} : memref<2048xi32, #tpu.memory_space<vmem>>, vector<16xi32>,
      %eq3A = arith.cmpi eq, %get3A_91, %get3A_62 : vector<16xi32>
      %ne3A = arith.cmpi ne, %get3A_95, %get3A_64 : vector<16xi32>
      %and3A = arith.andi %eq3A, %ne3A : vector<16xi1>
      %eq3A_96 = arith.cmpi eq, %get3A_91, %get3A_66 : vector<16xi32>
      %gt3A = arith.constant 0 : i32
      %gt3A_97 = arith.cmpi sgt, %div3A_74, %gt3A : i32
      %select_n3A = arith.select %gt3A_97, %and3A, %eq3A_96 : vector<16xi1>
      %convert_element_type3A = arith.extui %select_n3A : vector<16xi1> to vector<16xi32>
      %reduce_sum3A_98 = arith.constant true
      %reduce_sum3A_99 = vector.broadcast %reduce_sum3A_98 : i1 to vector<16xi1>
      %reduce_sum3A_100 = tpu.scan <sum>, %convert_element_type3A masked %reduce_sum3A_99 : vector<16xi32>, vector<16xi1> -> vector<16xi32>
      %reduce_sum3A_101 = vector.extract %reduce_sum3A_100[15] : i32 from vector<16xi32>
      %broadcast_in_dim3A = arith.constant true
      %broadcast_in_dim3A_102 = vector.broadcast %broadcast_in_dim3A : i1 to vector<16xi1>
      %masked_cumsum3A = tpu.scan <sum>, %convert_element_type3A masked %broadcast_in_dim3A_102 : vector<16xi32>, vector<16xi1> -> vector<16xi32>
      %sub3A = arith.subi %div3A_60, %scan3A_86 : i32
      %lt3A = arith.cmpi slt, %scan3A_86, %div3A_60 : i32
      %add3A_103 = arith.addi %scan3A_86, %reduce_sum3A_101 : i32
      %ge3A = arith.cmpi sge, %add3A_103, %div3A_60 : i32
      %and3A_104 = arith.andi %lt3A, %ge3A : i1
      %eq3A_105 = vector.broadcast %sub3A : i32 to vector<16xi32>
      %eq3A_106 = arith.cmpi eq, %masked_cumsum3A, %eq3A_105 : vector<16xi32>
      %and3A_107 = arith.andi %select_n3A, %eq3A_106 : vector<16xi1>
      %all_reduce_ffs3A = tpu.all_reduce %and3A_107 {dim = 0 : i64, kind = #tpu.reduction_kind<find_first_set>} : vector<16xi1> -> vector<16xi32>
      %reduce_sum3A_108 = arith.constant true
      %reduce_sum3A_109 = vector.broadcast %reduce_sum3A_108 : i1 to vector<16xi1>
      %reduce_sum3A_110 = tpu.scan <sum>, %all_reduce_ffs3A masked %reduce_sum3A_109 : vector<16xi32>, vector<16xi1> -> vector<16xi32>
      %reduce_sum3A_111 = vector.extract %reduce_sum3A_110[15] : i32 from vector<16xi32>
      %div3A_112 = arith.constant 16 : i32
      %div3A_113 = arith.divsi %reduce_sum3A_111, %div3A_112 : i32
      %mul3A_114 = arith.constant 16 : i32
      %mul3A_115 = arith.muli %scan3A_85, %mul3A_114 : i32
      %add3A_116 = arith.addi %mul3A_76, %mul3A_115 : i32
      %add3A_117 = arith.addi %add3A_116, %div3A_113 : i32
      %select_n3A_118 = arith.select %and3A_104, %add3A_117, %scan3A_87 : i32
      %add3A_119 = arith.addi %scan3A_86, %reduce_sum3A_101 : i32
      scf.yield %add3A_119, %select_n3A_118 : i32, i32
    }
    %scan3A_84 = arith.constant 128 : i32
    "tpu.region"() ({
      %run_scoped3A = tpu.sem_alloc : memref<!tpu.dma_semaphore, #tpu.memory_space<semaphore_mem>>
      %dma_start3A = arith.constant 0 : i32
      %dma_start3A_85 = tpu.memref_slice %arg4[%scan3A_83#1, %dma_start3A] : memref<100000x256xf32, #tpu.memory_space<hbm>> -> memref<1x256xf32, #tpu.memory_space<hbm>>
      %dma_start3A_86 = tpu.memref_squeeze %dma_start3A_85 : memref<1x256xf32, #tpu.memory_space<hbm>> -> memref<256xf32, #tpu.memory_space<hbm>>
      %dma_start3A_87 = arith.constant 0 : i32
      %dma_start3A_88 = tpu.memref_slice %arg4[%scan3A_83#1, %dma_start3A_87] : memref<100000x256xf32, #tpu.memory_space<hbm>> -> memref<1x256xf32, #tpu.memory_space<hbm>>
      %dma_start3A_89 = tpu.memref_squeeze %dma_start3A_88 : memref<1x256xf32, #tpu.memory_space<hbm>> -> memref<256xf32, #tpu.memory_space<hbm>>
      tpu.enqueue_dma source(%dma_start3A_89 : memref<256xf32, #tpu.memory_space<hbm>>) target(%arg10 : memref<256xf32, #tpu.memory_space<vmem>>) target_semaphore(%run_scoped3A : memref<!tpu.dma_semaphore, #tpu.memory_space<semaphore_mem>>)
      %dma_wait3A = arith.constant 0 : i32
      %dma_wait3A_90 = tpu.memref_slice %arg4[%scan3A_83#1, %dma_wait3A] : memref<100000x256xf32, #tpu.memory_space<hbm>> -> memref<1x256xf32, #tpu.memory_space<hbm>>
      %dma_wait3A_91 = tpu.memref_squeeze %dma_wait3A_90 : memref<1x256xf32, #tpu.memory_space<hbm>> -> memref<256xf32, #tpu.memory_space<hbm>>
      %dma_wait3A_92 = arith.constant 0 : i32
      %dma_wait3A_93 = tpu.memref_slice %arg4[%scan3A_83#1, %dma_wait3A_92] : memref<100000x256xf32, #tpu.memory_space<hbm>> -> memref<1x256xf32, #tpu.memory_space<hbm>>
      %dma_wait3A_94 = tpu.memref_squeeze %dma_wait3A_93 : memref<1x256xf32, #tpu.memory_space<hbm>> -> memref<256xf32, #tpu.memory_space<hbm>>
      tpu.wait_dma2 semaphore(%run_scoped3A : memref<!tpu.dma_semaphore, #tpu.memory_space<semaphore_mem>>) src(%dma_wait3A_94 : memref<256xf32, #tpu.memory_space<hbm>>) dst(%arg10 : memref<256xf32, #tpu.memory_space<vmem>>)
      tpu.yield
    }) : () -> ()
    "tpu.region"() ({
      %run_scoped3A = tpu.sem_alloc : memref<!tpu.dma_semaphore, #tpu.memory_space<semaphore_mem>>
      %dma_start3A = arith.constant 0 : i32
      %dma_start3A_85 = tpu.memref_slice %arg6[%add3A_44, %dma_start3A] : memref<64x256xf32, #tpu.memory_space<hbm>> -> memref<1x256xf32, #tpu.memory_space<hbm>>
      %dma_start3A_86 = tpu.memref_squeeze %dma_start3A_85 : memref<1x256xf32, #tpu.memory_space<hbm>> -> memref<256xf32, #tpu.memory_space<hbm>>
      %dma_start3A_87 = arith.constant 0 : i32
      %dma_start3A_88 = tpu.memref_slice %arg6[%add3A_44, %dma_start3A_87] : memref<64x256xf32, #tpu.memory_space<hbm>> -> memref<1x256xf32, #tpu.memory_space<hbm>>
      %dma_start3A_89 = tpu.memref_squeeze %dma_start3A_88 : memref<1x256xf32, #tpu.memory_space<hbm>> -> memref<256xf32, #tpu.memory_space<hbm>>
      tpu.enqueue_dma source(%arg10 : memref<256xf32, #tpu.memory_space<vmem>>) target(%dma_start3A_89 : memref<256xf32, #tpu.memory_space<hbm>>) target_semaphore(%run_scoped3A : memref<!tpu.dma_semaphore, #tpu.memory_space<semaphore_mem>>)
      %dma_wait3A = arith.constant 0 : i32
      %dma_wait3A_90 = tpu.memref_slice %arg6[%add3A_44, %dma_wait3A] : memref<64x256xf32, #tpu.memory_space<hbm>> -> memref<1x256xf32, #tpu.memory_space<hbm>>
      %dma_wait3A_91 = tpu.memref_squeeze %dma_wait3A_90 : memref<1x256xf32, #tpu.memory_space<hbm>> -> memref<256xf32, #tpu.memory_space<hbm>>
      %dma_wait3A_92 = arith.constant 0 : i32
      %dma_wait3A_93 = tpu.memref_slice %arg6[%add3A_44, %dma_wait3A_92] : memref<64x256xf32, #tpu.memory_space<hbm>> -> memref<1x256xf32, #tpu.memory_space<hbm>>
      %dma_wait3A_94 = tpu.memref_squeeze %dma_wait3A_93 : memref<1x256xf32, #tpu.memory_space<hbm>> -> memref<256xf32, #tpu.memory_space<hbm>>
      tpu.wait_dma2 semaphore(%run_scoped3A : memref<!tpu.dma_semaphore, #tpu.memory_space<semaphore_mem>>) src(%arg10 : memref<256xf32, #tpu.memory_space<vmem>>) dst(%dma_wait3A_94 : memref<256xf32, #tpu.memory_space<hbm>>)
      tpu.yield
    }) : () -> ()
    return
  }
}

#map = affine_map<(d0, d1) -> (0)>
module attributes {stable_mosaic.version = 14 : i64} {
  func.func @_sc_gather_labels(%arg0: i32, %arg1: i32, %arg2: memref<100000xi32, #tpu.memory_space<hbm>>, %arg3: memref<100000xi32, #tpu.memory_space<hbm>>, %arg4: memref<192xi32, #tpu.memory_space<hbm>>, %arg5: memref<192xi32, #tpu.memory_space<hbm>>, %arg6: memref<192xi32, #tpu.memory_space<vmem>>, %arg7: memref<192xi32, #tpu.memory_space<vmem>>, %arg8: memref<!tpu.dma_semaphore, #tpu.memory_space<semaphore_mem>>) attributes {dimension_semantics = [#tpu.dimension_semantics<core_parallel>, #tpu.dimension_semantics<subcore_parallel>], iteration_bounds = array<i64: 2, 16>, scalar_prefetch = 0 : i64, scratch_operands = 3 : i64, tpu.core_type = #tpu.core_type<sc_vector_subcore>, window_params = [{transform_indices = #map}, {transform_indices = #map}, {transform_indices = #map}, {transform_indices = #map}]} {
    %eq3A = arith.constant 0 : i32
    %eq3A_0 = arith.cmpi eq, %arg0, %eq3A : i32
    %eq3A_1 = arith.constant 0 : i32
    %eq3A_2 = arith.cmpi eq, %arg1, %eq3A_1 : i32
    %and3A = arith.andi %eq3A_0, %eq3A_2 : i1
    %convert_element_type3A = arith.extui %and3A : i1 to i32
    %cond3A = arith.constant 0 : i32
    %cond3A_3 = arith.cmpi ne, %convert_element_type3A, %cond3A : i32
    scf.if %cond3A_3 {
      "tpu.region"() ({
        %run_scoped3A = tpu.sem_alloc : memref<!tpu.dma_semaphore, #tpu.memory_space<semaphore_mem>>
        tpu.enqueue_dma source(%arg4 : memref<192xi32, #tpu.memory_space<hbm>>) target(%arg6 : memref<192xi32, #tpu.memory_space<vmem>>) target_semaphore(%run_scoped3A : memref<!tpu.dma_semaphore, #tpu.memory_space<semaphore_mem>>)
        tpu.wait_dma2 semaphore(%run_scoped3A : memref<!tpu.dma_semaphore, #tpu.memory_space<semaphore_mem>>) src(%arg4 : memref<192xi32, #tpu.memory_space<hbm>>) dst(%arg6 : memref<192xi32, #tpu.memory_space<vmem>>)
        tpu.yield
      }) : () -> ()
      %dma_start3A = arith.constant 0 : i32
      %dma_start3A_4 = tpu.memref_slice %arg7[%dma_start3A] : memref<192xi32, #tpu.memory_space<vmem>> -> memref<128xi32, #tpu.memory_space<vmem>>
      %dma_start3A_5 = arith.constant 0 : i32
      %dma_start3A_6 = tpu.memref_slice %arg6[%dma_start3A_5] : memref<192xi32, #tpu.memory_space<vmem>> -> memref<128xi32, #tpu.memory_space<vmem>>
      %dma_start3A_7 = arith.constant 0 : i32
      %dma_start3A_8 = tpu.memref_slice %arg2[%dma_start3A_7] : memref<100000xi32, #tpu.memory_space<hbm>> -> memref<100000xi32, #tpu.memory_space<hbm>>
      tpu.enqueue_indirect_dma source(%dma_start3A_8 : memref<100000xi32, #tpu.memory_space<hbm>>) target(%dma_start3A_4 : memref<128xi32, #tpu.memory_space<vmem>>) offsets(%dma_start3A_6 : memref<128xi32, #tpu.memory_space<vmem>>) semaphore(%arg8 : memref<!tpu.dma_semaphore, #tpu.memory_space<semaphore_mem>>)
      %dma_wait3A = arith.constant 0 : i32
      %dma_wait3A_9 = tpu.memref_slice %arg7[%dma_wait3A] : memref<192xi32, #tpu.memory_space<vmem>> -> memref<128xi32, #tpu.memory_space<vmem>>
      %dma_wait3A_10 = arith.constant 0 : i32
      %dma_wait3A_11 = tpu.memref_slice %arg6[%dma_wait3A_10] : memref<192xi32, #tpu.memory_space<vmem>> -> memref<128xi32, #tpu.memory_space<vmem>>
      %dma_wait3A_12 = arith.constant 0 : i32
      %dma_wait3A_13 = tpu.memref_slice %arg2[%dma_wait3A_12] : memref<100000xi32, #tpu.memory_space<hbm>> -> memref<100000xi32, #tpu.memory_space<hbm>>
      tpu.wait_indirect_dma semaphore(%arg8 : memref<!tpu.dma_semaphore, #tpu.memory_space<semaphore_mem>>) src(%dma_wait3A_13 : memref<100000xi32, #tpu.memory_space<hbm>>) dst(%dma_wait3A_9 : memref<128xi32, #tpu.memory_space<vmem>>)
      %dma_start3A_14 = arith.constant 128 : i32
      %dma_start3A_15 = tpu.memref_slice %arg7[%dma_start3A_14] : memref<192xi32, #tpu.memory_space<vmem>> -> memref<64xi32, #tpu.memory_space<vmem>>
      %dma_start3A_16 = arith.constant 128 : i32
      %dma_start3A_17 = tpu.memref_slice %arg6[%dma_start3A_16] : memref<192xi32, #tpu.memory_space<vmem>> -> memref<64xi32, #tpu.memory_space<vmem>>
      %dma_start3A_18 = arith.constant 0 : i32
      %dma_start3A_19 = tpu.memref_slice %arg3[%dma_start3A_18] : memref<100000xi32, #tpu.memory_space<hbm>> -> memref<100000xi32, #tpu.memory_space<hbm>>
      tpu.enqueue_indirect_dma source(%dma_start3A_19 : memref<100000xi32, #tpu.memory_space<hbm>>) target(%dma_start3A_15 : memref<64xi32, #tpu.memory_space<vmem>>) offsets(%dma_start3A_17 : memref<64xi32, #tpu.memory_space<vmem>>) semaphore(%arg8 : memref<!tpu.dma_semaphore, #tpu.memory_space<semaphore_mem>>)
      %dma_wait3A_20 = arith.constant 128 : i32
      %dma_wait3A_21 = tpu.memref_slice %arg7[%dma_wait3A_20] : memref<192xi32, #tpu.memory_space<vmem>> -> memref<64xi32, #tpu.memory_space<vmem>>
      %dma_wait3A_22 = arith.constant 128 : i32
      %dma_wait3A_23 = tpu.memref_slice %arg6[%dma_wait3A_22] : memref<192xi32, #tpu.memory_space<vmem>> -> memref<64xi32, #tpu.memory_space<vmem>>
      %dma_wait3A_24 = arith.constant 0 : i32
      %dma_wait3A_25 = tpu.memref_slice %arg3[%dma_wait3A_24] : memref<100000xi32, #tpu.memory_space<hbm>> -> memref<100000xi32, #tpu.memory_space<hbm>>
      tpu.wait_indirect_dma semaphore(%arg8 : memref<!tpu.dma_semaphore, #tpu.memory_space<semaphore_mem>>) src(%dma_wait3A_25 : memref<100000xi32, #tpu.memory_space<hbm>>) dst(%dma_wait3A_21 : memref<64xi32, #tpu.memory_space<vmem>>)
      "tpu.region"() ({
        %run_scoped3A = tpu.sem_alloc : memref<!tpu.dma_semaphore, #tpu.memory_space<semaphore_mem>>
        tpu.enqueue_dma source(%arg7 : memref<192xi32, #tpu.memory_space<vmem>>) target(%arg5 : memref<192xi32, #tpu.memory_space<hbm>>) target_semaphore(%run_scoped3A : memref<!tpu.dma_semaphore, #tpu.memory_space<semaphore_mem>>)
        tpu.wait_dma2 semaphore(%run_scoped3A : memref<!tpu.dma_semaphore, #tpu.memory_space<semaphore_mem>>) src(%arg7 : memref<192xi32, #tpu.memory_space<vmem>>) dst(%arg5 : memref<192xi32, #tpu.memory_space<hbm>>)
        tpu.yield
      }) : () -> ()
    } else {
    }
    return
  }
}

module attributes {stable_mosaic.version = 14 : i64} {
  func.func @_counts_body(%arg0: i32, %arg1: memref<1x16384xi32, #tpu.memory_space<vmem>>, %arg2: memref<1x16384xi32, #tpu.memory_space<vmem>>, %arg3: memref<64x1xi32, #tpu.memory_space<vmem>>, %arg4: memref<64x1xi32, #tpu.memory_space<vmem>>, %arg5: memref<64x1xi32, #tpu.memory_space<vmem>>, %arg6: memref<1x8x64xf32, #tpu.memory_space<vmem>>, %arg7: memref<1x8x64xf32, #tpu.memory_space<vmem>>) attributes {dimension_semantics = [#tpu.dimension_semantics<arbitrary>], iteration_bounds = array<i64: 7>, scalar_prefetch = 0 : i64, scratch_operands = 0 : i64, tpu.core_type = #tpu.core_type<tc>, window_params = [{transform_indices = @transform_0, window_bounds = array<i64: 1, 16384>}, {transform_indices = @transform_1, window_bounds = array<i64: 1, 16384>}, {pipeline_mode = #tpu.pipeline_mode<synchronous>, transform_indices = @transform_2, window_bounds = array<i64: 64, 1>}, {pipeline_mode = #tpu.pipeline_mode<synchronous>, transform_indices = @transform_3, window_bounds = array<i64: 64, 1>}, {pipeline_mode = #tpu.pipeline_mode<synchronous>, transform_indices = @transform_4, window_bounds = array<i64: 64, 1>}, {transform_indices = @transform_5, window_bounds = array<i64: 1, 8, 64>}, {transform_indices = @transform_6, window_bounds = array<i64: 1, 8, 64>}]} {
    %get3A = arith.constant 0 : index
    %get3A_0 = arith.constant 0 : index
    %get3A_1 = vector.load %arg1[%get3A, %get3A_0] : memref<1x16384xi32, #tpu.memory_space<vmem>>, vector<1x16384xi32>
    %get3A_2 = arith.constant 0 : index
    %get3A_3 = arith.constant 0 : index
    %get3A_4 = vector.load %arg2[%get3A_2, %get3A_3] : memref<1x16384xi32, #tpu.memory_space<vmem>>, vector<1x16384xi32>
    %get3A_5 = arith.constant 0 : index
    %get3A_6 = arith.constant 0 : index
    %get3A_7 = vector.load %arg3[%get3A_5, %get3A_6] : memref<64x1xi32, #tpu.memory_space<vmem>>, vector<64x1xi32>
    %eq3A = vector.broadcast %get3A_7 : vector<64x1xi32> to vector<64x16384xi32>
    %eq3A_8 = vector.broadcast %get3A_1 : vector<1x16384xi32> to vector<64x16384xi32>
    %eq3A_9 = arith.cmpi eq, %eq3A, %eq3A_8 : vector<64x16384xi32>
    %get3A_10 = arith.constant 0 : index
    %get3A_11 = arith.constant 0 : index
    %get3A_12 = vector.load %arg4[%get3A_10, %get3A_11] : memref<64x1xi32, #tpu.memory_space<vmem>>, vector<64x1xi32>
    %eq3A_13 = vector.broadcast %get3A_12 : vector<64x1xi32> to vector<64x16384xi32>
    %eq3A_14 = vector.broadcast %get3A_4 : vector<1x16384xi32> to vector<64x16384xi32>
    %eq3A_15 = arith.cmpi eq, %eq3A_13, %eq3A_14 : vector<64x16384xi32>
    %not3A = arith.constant dense<true> : vector<64x16384xi1>
    %not3A_16 = arith.xori %eq3A_15, %not3A : vector<64x16384xi1>
    %and3A = arith.andi %eq3A_9, %not3A_16 : vector<64x16384xi1>
    %get3A_17 = arith.constant 0 : index
    %get3A_18 = arith.constant 0 : index
    %get3A_19 = vector.load %arg5[%get3A_17, %get3A_18] : memref<64x1xi32, #tpu.memory_space<vmem>>, vector<64x1xi32>
    %eq3A_20 = vector.broadcast %get3A_19 : vector<64x1xi32> to vector<64x16384xi32>
    %eq3A_21 = vector.broadcast %get3A_1 : vector<1x16384xi32> to vector<64x16384xi32>
    %eq3A_22 = arith.cmpi eq, %eq3A_20, %eq3A_21 : vector<64x16384xi32>
    %jit3A = arith.constant 1.000000e+00 : f32
    %jit3A_23 = arith.constant 0.000000e+00 : f32
    %broadcast_in_dim3A = vector.broadcast %jit3A : f32 to vector<64x16384xf32>
    %broadcast_in_dim3A_24 = vector.broadcast %jit3A_23 : f32 to vector<64x16384xf32>
    %select_n3A = arith.select %and3A, %broadcast_in_dim3A, %broadcast_in_dim3A_24 : vector<64x16384xi1>, vector<64x16384xf32>
    %jit3A_25 = arith.constant 1.000000e+00 : f32
    %jit3A_26 = arith.constant 0.000000e+00 : f32
    %broadcast_in_dim3A_27 = vector.broadcast %jit3A_25 : f32 to vector<64x16384xf32>
    %broadcast_in_dim3A_28 = vector.broadcast %jit3A_26 : f32 to vector<64x16384xf32>
    %select_n3A_29 = arith.select %eq3A_22, %broadcast_in_dim3A_27, %broadcast_in_dim3A_28 : vector<64x16384xi1>, vector<64x16384xf32>
    %slice3A = vector.extract_strided_slice %select_n3A {offsets = [0, 0], sizes = [64, 2048], strides = [1, 1]} : vector<64x16384xf32> to vector<64x2048xf32>
    %reduce_sum3A = arith.constant dense<0.000000e+00> : vector<64xf32>
    %reduce_sum3A_30 = vector.multi_reduction <add>, %slice3A, %reduce_sum3A [1] : vector<64x2048xf32> to vector<64xf32>
    %swap3A = arith.constant 0 : index
    %swap3A_31 = arith.constant 0 : index
    %swap3A_32 = arith.constant 0 : index
    %swap3A_33 = vector.load %arg6[%swap3A, %swap3A_31, %swap3A_32] : memref<1x8x64xf32, #tpu.memory_space<vmem>>, vector<1x1x64xf32>
    %swap3A_34 = vector.shape_cast %swap3A_33 : vector<1x1x64xf32> to vector<64xf32>
    %swap3A_35 = vector.shape_cast %reduce_sum3A_30 : vector<64xf32> to vector<1x1x64xf32>
    tpu.vector_store %arg6[%swap3A, %swap3A_31, %swap3A_32], %swap3A_35 {strides = array<i32>} : memref<1x8x64xf32, #tpu.memory_space<vmem>>, vector<1x1x64xf32>,
    %slice3A_36 = vector.extract_strided_slice %select_n3A_29 {offsets = [0, 0], sizes = [64, 2048], strides = [1, 1]} : vector<64x16384xf32> to vector<64x2048xf32>
    %reduce_sum3A_37 = arith.constant dense<0.000000e+00> : vector<64xf32>
    %reduce_sum3A_38 = vector.multi_reduction <add>, %slice3A_36, %reduce_sum3A_37 [1] : vector<64x2048xf32> to vector<64xf32>
    %swap3A_39 = arith.constant 0 : index
    %swap3A_40 = arith.constant 0 : index
    %swap3A_41 = arith.constant 0 : index
    %swap3A_42 = vector.load %arg7[%swap3A_39, %swap3A_40, %swap3A_41] : memref<1x8x64xf32, #tpu.memory_space<vmem>>, vector<1x1x64xf32>
    %swap3A_43 = vector.shape_cast %swap3A_42 : vector<1x1x64xf32> to vector<64xf32>
    %swap3A_44 = vector.shape_cast %reduce_sum3A_38 : vector<64xf32> to vector<1x1x64xf32>
    tpu.vector_store %arg7[%swap3A_39, %swap3A_40, %swap3A_41], %swap3A_44 {strides = array<i32>} : memref<1x8x64xf32, #tpu.memory_space<vmem>>, vector<1x1x64xf32>,
    %slice3A_45 = vector.extract_strided_slice %select_n3A {offsets = [0, 2048], sizes = [64, 2048], strides = [1, 1]} : vector<64x16384xf32> to vector<64x2048xf32>
    %reduce_sum3A_46 = arith.constant dense<0.000000e+00> : vector<64xf32>
    %reduce_sum3A_47 = vector.multi_reduction <add>, %slice3A_45, %reduce_sum3A_46 [1] : vector<64x2048xf32> to vector<64xf32>
    %swap3A_48 = arith.constant 0 : index
    %swap3A_49 = arith.constant 1 : index
    %swap3A_50 = arith.constant 0 : index
    %swap3A_51 = vector.load %arg6[%swap3A_48, %swap3A_49, %swap3A_50] : memref<1x8x64xf32, #tpu.memory_space<vmem>>, vector<1x1x64xf32>
    %swap3A_52 = vector.shape_cast %swap3A_51 : vector<1x1x64xf32> to vector<64xf32>
    %swap3A_53 = vector.shape_cast %reduce_sum3A_47 : vector<64xf32> to vector<1x1x64xf32>
    tpu.vector_store %arg6[%swap3A_48, %swap3A_49, %swap3A_50], %swap3A_53 {strides = array<i32>} : memref<1x8x64xf32, #tpu.memory_space<vmem>>, vector<1x1x64xf32>,
    %slice3A_54 = vector.extract_strided_slice %select_n3A_29 {offsets = [0, 2048], sizes = [64, 2048], strides = [1, 1]} : vector<64x16384xf32> to vector<64x2048xf32>
    %reduce_sum3A_55 = arith.constant dense<0.000000e+00> : vector<64xf32>
    %reduce_sum3A_56 = vector.multi_reduction <add>, %slice3A_54, %reduce_sum3A_55 [1] : vector<64x2048xf32> to vector<64xf32>
    %swap3A_57 = arith.constant 0 : index
    %swap3A_58 = arith.constant 1 : index
    %swap3A_59 = arith.constant 0 : index
    %swap3A_60 = vector.load %arg7[%swap3A_57, %swap3A_58, %swap3A_59] : memref<1x8x64xf32, #tpu.memory_space<vmem>>, vector<1x1x64xf32>
    %swap3A_61 = vector.shape_cast %swap3A_60 : vector<1x1x64xf32> to vector<64xf32>
    %swap3A_62 = vector.shape_cast %reduce_sum3A_56 : vector<64xf32> to vector<1x1x64xf32>
    tpu.vector_store %arg7[%swap3A_57, %swap3A_58, %swap3A_59], %swap3A_62 {strides = array<i32>} : memref<1x8x64xf32, #tpu.memory_space<vmem>>, vector<1x1x64xf32>,
    %slice3A_63 = vector.extract_strided_slice %select_n3A {offsets = [0, 4096], sizes = [64, 2048], strides = [1, 1]} : vector<64x16384xf32> to vector<64x2048xf32>
    %reduce_sum3A_64 = arith.constant dense<0.000000e+00> : vector<64xf32>
    %reduce_sum3A_65 = vector.multi_reduction <add>, %slice3A_63, %reduce_sum3A_64 [1] : vector<64x2048xf32> to vector<64xf32>
    %swap3A_66 = arith.constant 0 : index
    %swap3A_67 = arith.constant 2 : index
    %swap3A_68 = arith.constant 0 : index
    %swap3A_69 = vector.load %arg6[%swap3A_66, %swap3A_67, %swap3A_68] : memref<1x8x64xf32, #tpu.memory_space<vmem>>, vector<1x1x64xf32>
    %swap3A_70 = vector.shape_cast %swap3A_69 : vector<1x1x64xf32> to vector<64xf32>
    %swap3A_71 = vector.shape_cast %reduce_sum3A_65 : vector<64xf32> to vector<1x1x64xf32>
    tpu.vector_store %arg6[%swap3A_66, %swap3A_67, %swap3A_68], %swap3A_71 {strides = array<i32>} : memref<1x8x64xf32, #tpu.memory_space<vmem>>, vector<1x1x64xf32>,
    %slice3A_72 = vector.extract_strided_slice %select_n3A_29 {offsets = [0, 4096], sizes = [64, 2048], strides = [1, 1]} : vector<64x16384xf32> to vector<64x2048xf32>
    %reduce_sum3A_73 = arith.constant dense<0.000000e+00> : vector<64xf32>
    %reduce_sum3A_74 = vector.multi_reduction <add>, %slice3A_72, %reduce_sum3A_73 [1] : vector<64x2048xf32> to vector<64xf32>
    %swap3A_75 = arith.constant 0 : index
    %swap3A_76 = arith.constant 2 : index
    %swap3A_77 = arith.constant 0 : index
    %swap3A_78 = vector.load %arg7[%swap3A_75, %swap3A_76, %swap3A_77] : memref<1x8x64xf32, #tpu.memory_space<vmem>>, vector<1x1x64xf32>
    %swap3A_79 = vector.shape_cast %swap3A_78 : vector<1x1x64xf32> to vector<64xf32>
    %swap3A_80 = vector.shape_cast %reduce_sum3A_74 : vector<64xf32> to vector<1x1x64xf32>
    tpu.vector_store %arg7[%swap3A_75, %swap3A_76, %swap3A_77], %swap3A_80 {strides = array<i32>} : memref<1x8x64xf32, #tpu.memory_space<vmem>>, vector<1x1x64xf32>,
    %slice3A_81 = vector.extract_strided_slice %select_n3A {offsets = [0, 6144], sizes = [64, 2048], strides = [1, 1]} : vector<64x16384xf32> to vector<64x2048xf32>
    %reduce_sum3A_82 = arith.constant dense<0.000000e+00> : vector<64xf32>
    %reduce_sum3A_83 = vector.multi_reduction <add>, %slice3A_81, %reduce_sum3A_82 [1] : vector<64x2048xf32> to vector<64xf32>
    %swap3A_84 = arith.constant 0 : index
    %swap3A_85 = arith.constant 3 : index
    %swap3A_86 = arith.constant 0 : index
    %swap3A_87 = vector.load %arg6[%swap3A_84, %swap3A_85, %swap3A_86] : memref<1x8x64xf32, #tpu.memory_space<vmem>>, vector<1x1x64xf32>
    %swap3A_88 = vector.shape_cast %swap3A_87 : vector<1x1x64xf32> to vector<64xf32>
    %swap3A_89 = vector.shape_cast %reduce_sum3A_83 : vector<64xf32> to vector<1x1x64xf32>
    tpu.vector_store %arg6[%swap3A_84, %swap3A_85, %swap3A_86], %swap3A_89 {strides = array<i32>} : memref<1x8x64xf32, #tpu.memory_space<vmem>>, vector<1x1x64xf32>,
    %slice3A_90 = vector.extract_strided_slice %select_n3A_29 {offsets = [0, 6144], sizes = [64, 2048], strides = [1, 1]} : vector<64x16384xf32> to vector<64x2048xf32>
    %reduce_sum3A_91 = arith.constant dense<0.000000e+00> : vector<64xf32>
    %reduce_sum3A_92 = vector.multi_reduction <add>, %slice3A_90, %reduce_sum3A_91 [1] : vector<64x2048xf32> to vector<64xf32>
    %swap3A_93 = arith.constant 0 : index
    %swap3A_94 = arith.constant 3 : index
    %swap3A_95 = arith.constant 0 : index
    %swap3A_96 = vector.load %arg7[%swap3A_93, %swap3A_94, %swap3A_95] : memref<1x8x64xf32, #tpu.memory_space<vmem>>, vector<1x1x64xf32>
    %swap3A_97 = vector.shape_cast %swap3A_96 : vector<1x1x64xf32> to vector<64xf32>
    %swap3A_98 = vector.shape_cast %reduce_sum3A_92 : vector<64xf32> to vector<1x1x64xf32>
    tpu.vector_store %arg7[%swap3A_93, %swap3A_94, %swap3A_95], %swap3A_98 {strides = array<i32>} : memref<1x8x64xf32, #tpu.memory_space<vmem>>, vector<1x1x64xf32>,
    %slice3A_99 = vector.extract_strided_slice %select_n3A {offsets = [0, 8192], sizes = [64, 2048], strides = [1, 1]} : vector<64x16384xf32> to vector<64x2048xf32>
    %reduce_sum3A_100 = arith.constant dense<0.000000e+00> : vector<64xf32>
    %reduce_sum3A_101 = vector.multi_reduction <add>, %slice3A_99, %reduce_sum3A_100 [1] : vector<64x2048xf32> to vector<64xf32>
    %swap3A_102 = arith.constant 0 : index
    %swap3A_103 = arith.constant 4 : index
    %swap3A_104 = arith.constant 0 : index
    %swap3A_105 = vector.load %arg6[%swap3A_102, %swap3A_103, %swap3A_104] : memref<1x8x64xf32, #tpu.memory_space<vmem>>, vector<1x1x64xf32>
    %swap3A_106 = vector.shape_cast %swap3A_105 : vector<1x1x64xf32> to vector<64xf32>
    %swap3A_107 = vector.shape_cast %reduce_sum3A_101 : vector<64xf32> to vector<1x1x64xf32>
    tpu.vector_store %arg6[%swap3A_102, %swap3A_103, %swap3A_104], %swap3A_107 {strides = array<i32>} : memref<1x8x64xf32, #tpu.memory_space<vmem>>, vector<1x1x64xf32>,
    %slice3A_108 = vector.extract_strided_slice %select_n3A_29 {offsets = [0, 8192], sizes = [64, 2048], strides = [1, 1]} : vector<64x16384xf32> to vector<64x2048xf32>
    %reduce_sum3A_109 = arith.constant dense<0.000000e+00> : vector<64xf32>
    %reduce_sum3A_110 = vector.multi_reduction <add>, %slice3A_108, %reduce_sum3A_109 [1] : vector<64x2048xf32> to vector<64xf32>
    %swap3A_111 = arith.constant 0 : index
    %swap3A_112 = arith.constant 4 : index
    %swap3A_113 = arith.constant 0 : index
    %swap3A_114 = vector.load %arg7[%swap3A_111, %swap3A_112, %swap3A_113] : memref<1x8x64xf32, #tpu.memory_space<vmem>>, vector<1x1x64xf32>
    %swap3A_115 = vector.shape_cast %swap3A_114 : vector<1x1x64xf32> to vector<64xf32>
    %swap3A_116 = vector.shape_cast %reduce_sum3A_110 : vector<64xf32> to vector<1x1x64xf32>
    tpu.vector_store %arg7[%swap3A_111, %swap3A_112, %swap3A_113], %swap3A_116 {strides = array<i32>} : memref<1x8x64xf32, #tpu.memory_space<vmem>>, vector<1x1x64xf32>,
    %slice3A_117 = vector.extract_strided_slice %select_n3A {offsets = [0, 10240], sizes = [64, 2048], strides = [1, 1]} : vector<64x16384xf32> to vector<64x2048xf32>
    %reduce_sum3A_118 = arith.constant dense<0.000000e+00> : vector<64xf32>
    %reduce_sum3A_119 = vector.multi_reduction <add>, %slice3A_117, %reduce_sum3A_118 [1] : vector<64x2048xf32> to vector<64xf32>
    %swap3A_120 = arith.constant 0 : index
    %swap3A_121 = arith.constant 5 : index
    %swap3A_122 = arith.constant 0 : index
    %swap3A_123 = vector.load %arg6[%swap3A_120, %swap3A_121, %swap3A_122] : memref<1x8x64xf32, #tpu.memory_space<vmem>>, vector<1x1x64xf32>
    %swap3A_124 = vector.shape_cast %swap3A_123 : vector<1x1x64xf32> to vector<64xf32>
    %swap3A_125 = vector.shape_cast %reduce_sum3A_119 : vector<64xf32> to vector<1x1x64xf32>
    tpu.vector_store %arg6[%swap3A_120, %swap3A_121, %swap3A_122], %swap3A_125 {strides = array<i32>} : memref<1x8x64xf32, #tpu.memory_space<vmem>>, vector<1x1x64xf32>,
    %slice3A_126 = vector.extract_strided_slice %select_n3A_29 {offsets = [0, 10240], sizes = [64, 2048], strides = [1, 1]} : vector<64x16384xf32> to vector<64x2048xf32>
    %reduce_sum3A_127 = arith.constant dense<0.000000e+00> : vector<64xf32>
    %reduce_sum3A_128 = vector.multi_reduction <add>, %slice3A_126, %reduce_sum3A_127 [1] : vector<64x2048xf32> to vector<64xf32>
    %swap3A_129 = arith.constant 0 : index
    %swap3A_130 = arith.constant 5 : index
    %swap3A_131 = arith.constant 0 : index
    %swap3A_132 = vector.load %arg7[%swap3A_129, %swap3A_130, %swap3A_131] : memref<1x8x64xf32, #tpu.memory_space<vmem>>, vector<1x1x64xf32>
    %swap3A_133 = vector.shape_cast %swap3A_132 : vector<1x1x64xf32> to vector<64xf32>
    %swap3A_134 = vector.shape_cast %reduce_sum3A_128 : vector<64xf32> to vector<1x1x64xf32>
    tpu.vector_store %arg7[%swap3A_129, %swap3A_130, %swap3A_131], %swap3A_134 {strides = array<i32>} : memref<1x8x64xf32, #tpu.memory_space<vmem>>, vector<1x1x64xf32>,
    %slice3A_135 = vector.extract_strided_slice %select_n3A {offsets = [0, 12288], sizes = [64, 2048], strides = [1, 1]} : vector<64x16384xf32> to vector<64x2048xf32>
    %reduce_sum3A_136 = arith.constant dense<0.000000e+00> : vector<64xf32>
    %reduce_sum3A_137 = vector.multi_reduction <add>, %slice3A_135, %reduce_sum3A_136 [1] : vector<64x2048xf32> to vector<64xf32>
    %swap3A_138 = arith.constant 0 : index
    %swap3A_139 = arith.constant 6 : index
    %swap3A_140 = arith.constant 0 : index
    %swap3A_141 = vector.load %arg6[%swap3A_138, %swap3A_139, %swap3A_140] : memref<1x8x64xf32, #tpu.memory_space<vmem>>, vector<1x1x64xf32>
    %swap3A_142 = vector.shape_cast %swap3A_141 : vector<1x1x64xf32> to vector<64xf32>
    %swap3A_143 = vector.shape_cast %reduce_sum3A_137 : vector<64xf32> to vector<1x1x64xf32>
    tpu.vector_store %arg6[%swap3A_138, %swap3A_139, %swap3A_140], %swap3A_143 {strides = array<i32>} : memref<1x8x64xf32, #tpu.memory_space<vmem>>, vector<1x1x64xf32>,
    %slice3A_144 = vector.extract_strided_slice %select_n3A_29 {offsets = [0, 12288], sizes = [64, 2048], strides = [1, 1]} : vector<64x16384xf32> to vector<64x2048xf32>
    %reduce_sum3A_145 = arith.constant dense<0.000000e+00> : vector<64xf32>
    %reduce_sum3A_146 = vector.multi_reduction <add>, %slice3A_144, %reduce_sum3A_145 [1] : vector<64x2048xf32> to vector<64xf32>
    %swap3A_147 = arith.constant 0 : index
    %swap3A_148 = arith.constant 6 : index
    %swap3A_149 = arith.constant 0 : index
    %swap3A_150 = vector.load %arg7[%swap3A_147, %swap3A_148, %swap3A_149] : memref<1x8x64xf32, #tpu.memory_space<vmem>>, vector<1x1x64xf32>
    %swap3A_151 = vector.shape_cast %swap3A_150 : vector<1x1x64xf32> to vector<64xf32>
    %swap3A_152 = vector.shape_cast %reduce_sum3A_146 : vector<64xf32> to vector<1x1x64xf32>
    tpu.vector_store %arg7[%swap3A_147, %swap3A_148, %swap3A_149], %swap3A_152 {strides = array<i32>} : memref<1x8x64xf32, #tpu.memory_space<vmem>>, vector<1x1x64xf32>,
    %slice3A_153 = vector.extract_strided_slice %select_n3A {offsets = [0, 14336], sizes = [64, 2048], strides = [1, 1]} : vector<64x16384xf32> to vector<64x2048xf32>
    %reduce_sum3A_154 = arith.constant dense<0.000000e+00> : vector<64xf32>
    %reduce_sum3A_155 = vector.multi_reduction <add>, %slice3A_153, %reduce_sum3A_154 [1] : vector<64x2048xf32> to vector<64xf32>
    %swap3A_156 = arith.constant 0 : index
    %swap3A_157 = arith.constant 7 : index
    %swap3A_158 = arith.constant 0 : index
    %swap3A_159 = vector.load %arg6[%swap3A_156, %swap3A_157, %swap3A_158] : memref<1x8x64xf32, #tpu.memory_space<vmem>>, vector<1x1x64xf32>
    %swap3A_160 = vector.shape_cast %swap3A_159 : vector<1x1x64xf32> to vector<64xf32>
    %swap3A_161 = vector.shape_cast %reduce_sum3A_155 : vector<64xf32> to vector<1x1x64xf32>
    tpu.vector_store %arg6[%swap3A_156, %swap3A_157, %swap3A_158], %swap3A_161 {strides = array<i32>} : memref<1x8x64xf32, #tpu.memory_space<vmem>>, vector<1x1x64xf32>,
    %slice3A_162 = vector.extract_strided_slice %select_n3A_29 {offsets = [0, 14336], sizes = [64, 2048], strides = [1, 1]} : vector<64x16384xf32> to vector<64x2048xf32>
    %reduce_sum3A_163 = arith.constant dense<0.000000e+00> : vector<64xf32>
    %reduce_sum3A_164 = vector.multi_reduction <add>, %slice3A_162, %reduce_sum3A_163 [1] : vector<64x2048xf32> to vector<64xf32>
    %swap3A_165 = arith.constant 0 : index
    %swap3A_166 = arith.constant 7 : index
    %swap3A_167 = arith.constant 0 : index
    %swap3A_168 = vector.load %arg7[%swap3A_165, %swap3A_166, %swap3A_167] : memref<1x8x64xf32, #tpu.memory_space<vmem>>, vector<1x1x64xf32>
    %swap3A_169 = vector.shape_cast %swap3A_168 : vector<1x1x64xf32> to vector<64xf32>
    %swap3A_170 = vector.shape_cast %reduce_sum3A_164 : vector<64xf32> to vector<1x1x64xf32>
    tpu.vector_store %arg7[%swap3A_165, %swap3A_166, %swap3A_167], %swap3A_170 {strides = array<i32>} : memref<1x8x64xf32, #tpu.memory_space<vmem>>, vector<1x1x64xf32>,
    return
  }
  func.func @transform_0(%arg0: i32) -> (i32, i32) {
    %c0_i32 = arith.constant 0 : i32
    %c0_i32_0 = arith.constant 0 : i32
    return %c0_i32, %arg0 : i32, i32
  }
  func.func @transform_1(%arg0: i32) -> (i32, i32) {
    %c0_i32 = arith.constant 0 : i32
    %c0_i32_0 = arith.constant 0 : i32
    return %c0_i32, %arg0 : i32, i32
  }
  func.func @transform_2(%arg0: i32) -> (i32, i32) {
    %c0_i32 = arith.constant 0 : i32
    %c0_i32_0 = arith.constant 0 : i32
    %c0_i32_1 = arith.constant 0 : i32
    return %c0_i32, %c0_i32_0 : i32, i32
  }
  func.func @transform_3(%arg0: i32) -> (i32, i32) {
    %c0_i32 = arith.constant 0 : i32
    %c0_i32_0 = arith.constant 0 : i32
    %c0_i32_1 = arith.constant 0 : i32
    return %c0_i32, %c0_i32_0 : i32, i32
  }
  func.func @transform_4(%arg0: i32) -> (i32, i32) {
    %c0_i32 = arith.constant 0 : i32
    %c0_i32_0 = arith.constant 0 : i32
    %c0_i32_1 = arith.constant 0 : i32
    return %c0_i32, %c0_i32_0 : i32, i32
  }
  func.func @transform_5(%arg0: i32) -> (i32, i32, i32) {
    %c0_i32 = arith.constant 0 : i32
    %c0_i32_0 = arith.constant 0 : i32
    %c0_i32_1 = arith.constant 0 : i32
    return %arg0, %c0_i32, %c0_i32_0 : i32, i32, i32
  }
  func.func @transform_6(%arg0: i32) -> (i32, i32, i32) {
    %c0_i32 = arith.constant 0 : i32
    %c0_i32_0 = arith.constant 0 : i32
    %c0_i32_1 = arith.constant 0 : i32
    return %arg0, %c0_i32, %c0_i32_0 : i32, i32, i32
  }
}

module attributes {stable_mosaic.version = 14 : i64} {
  func.func @_masks_body(%arg0: i32, %arg1: memref<1x16384xi32, #tpu.memory_space<vmem>>, %arg2: memref<1x16384xi32, #tpu.memory_space<vmem>>, %arg3: memref<64x1xi32, #tpu.memory_space<vmem>>, %arg4: memref<64x1xi32, #tpu.memory_space<vmem>>, %arg5: memref<64x1xi32, #tpu.memory_space<vmem>>, %arg6: memref<64x1xi32, #tpu.memory_space<vmem>>, %arg7: memref<64x16384xf32, #tpu.memory_space<vmem>>, %arg8: memref<64x16384xf32, #tpu.memory_space<vmem>>) attributes {dimension_semantics = [#tpu.dimension_semantics<arbitrary>], iteration_bounds = array<i64: 7>, scalar_prefetch = 0 : i64, scratch_operands = 0 : i64, tpu.core_type = #tpu.core_type<tc>, window_params = [{transform_indices = @transform_0, window_bounds = array<i64: 1, 16384>}, {transform_indices = @transform_1, window_bounds = array<i64: 1, 16384>}, {pipeline_mode = #tpu.pipeline_mode<synchronous>, transform_indices = @transform_2, window_bounds = array<i64: 64, 1>}, {pipeline_mode = #tpu.pipeline_mode<synchronous>, transform_indices = @transform_3, window_bounds = array<i64: 64, 1>}, {pipeline_mode = #tpu.pipeline_mode<synchronous>, transform_indices = @transform_4, window_bounds = array<i64: 64, 1>}, {pipeline_mode = #tpu.pipeline_mode<synchronous>, transform_indices = @transform_5, window_bounds = array<i64: 64, 1>}, {transform_indices = @transform_6, window_bounds = array<i64: 64, 16384>}, {transform_indices = @transform_7, window_bounds = array<i64: 64, 16384>}]} {
    %get3A = arith.constant 0 : index
    %get3A_0 = arith.constant 0 : index
    %get3A_1 = vector.load %arg1[%get3A, %get3A_0] : memref<1x16384xi32, #tpu.memory_space<vmem>>, vector<1x16384xi32>
    %get3A_2 = arith.constant 0 : index
    %get3A_3 = arith.constant 0 : index
    %get3A_4 = vector.load %arg2[%get3A_2, %get3A_3] : memref<1x16384xi32, #tpu.memory_space<vmem>>, vector<1x16384xi32>
    %get3A_5 = arith.constant 0 : index
    %get3A_6 = arith.constant 0 : index
    %get3A_7 = vector.load %arg3[%get3A_5, %get3A_6] : memref<64x1xi32, #tpu.memory_space<vmem>>, vector<64x1xi32>
    %eq3A = vector.broadcast %get3A_7 : vector<64x1xi32> to vector<64x16384xi32>
    %eq3A_8 = vector.broadcast %get3A_1 : vector<1x16384xi32> to vector<64x16384xi32>
    %eq3A_9 = arith.cmpi eq, %eq3A, %eq3A_8 : vector<64x16384xi32>
    %get3A_10 = arith.constant 0 : index
    %get3A_11 = arith.constant 0 : index
    %get3A_12 = vector.load %arg4[%get3A_10, %get3A_11] : memref<64x1xi32, #tpu.memory_space<vmem>>, vector<64x1xi32>
    %ne3A = vector.broadcast %get3A_12 : vector<64x1xi32> to vector<64x16384xi32>
    %ne3A_13 = vector.broadcast %get3A_4 : vector<1x16384xi32> to vector<64x16384xi32>
    %ne3A_14 = arith.cmpi ne, %ne3A, %ne3A_13 : vector<64x16384xi32>
    %and3A = arith.andi %eq3A_9, %ne3A_14 : vector<64x16384xi1>
    %get3A_15 = arith.constant 0 : index
    %get3A_16 = arith.constant 0 : index
    %get3A_17 = vector.load %arg6[%get3A_15, %get3A_16] : memref<64x1xi32, #tpu.memory_space<vmem>>, vector<64x1xi32>
    %eq3A_18 = vector.broadcast %get3A_17 : vector<64x1xi32> to vector<64x16384xi32>
    %eq3A_19 = vector.broadcast %get3A_4 : vector<1x16384xi32> to vector<64x16384xi32>
    %eq3A_20 = arith.cmpi eq, %eq3A_18, %eq3A_19 : vector<64x16384xi32>
    %get3A_21 = arith.constant 0 : index
    %get3A_22 = arith.constant 0 : index
    %get3A_23 = vector.load %arg5[%get3A_21, %get3A_22] : memref<64x1xi32, #tpu.memory_space<vmem>>, vector<64x1xi32>
    %ne3A_24 = vector.broadcast %get3A_23 : vector<64x1xi32> to vector<64x16384xi32>
    %ne3A_25 = vector.broadcast %get3A_1 : vector<1x16384xi32> to vector<64x16384xi32>
    %ne3A_26 = arith.cmpi ne, %ne3A_24, %ne3A_25 : vector<64x16384xi32>
    %and3A_27 = arith.andi %eq3A_20, %ne3A_26 : vector<64x16384xi1>
    %jit3A = arith.constant 1.000000e+00 : f32
    %jit3A_28 = arith.constant 0.000000e+00 : f32
    %broadcast_in_dim3A = vector.broadcast %jit3A : f32 to vector<64x16384xf32>
    %broadcast_in_dim3A_29 = vector.broadcast %jit3A_28 : f32 to vector<64x16384xf32>
    %select_n3A = arith.select %and3A, %broadcast_in_dim3A, %broadcast_in_dim3A_29 : vector<64x16384xi1>, vector<64x16384xf32>
    %swap3A = arith.constant 0 : index
    %swap3A_30 = arith.constant 0 : index
    %swap3A_31 = vector.load %arg7[%swap3A, %swap3A_30] : memref<64x16384xf32, #tpu.memory_space<vmem>>, vector<64x16384xf32>
    tpu.vector_store %arg7[%swap3A, %swap3A_30], %select_n3A {strides = array<i32>} : memref<64x16384xf32, #tpu.memory_space<vmem>>, vector<64x16384xf32>,
    %jit3A_32 = arith.constant 1.000000e+00 : f32
    %jit3A_33 = arith.constant 0.000000e+00 : f32
    %broadcast_in_dim3A_34 = vector.broadcast %jit3A_32 : f32 to vector<64x16384xf32>
    %broadcast_in_dim3A_35 = vector.broadcast %jit3A_33 : f32 to vector<64x16384xf32>
    %select_n3A_36 = arith.select %and3A_27, %broadcast_in_dim3A_34, %broadcast_in_dim3A_35 : vector<64x16384xi1>, vector<64x16384xf32>
    %swap3A_37 = arith.constant 0 : index
    %swap3A_38 = arith.constant 0 : index
    %swap3A_39 = vector.load %arg8[%swap3A_37, %swap3A_38] : memref<64x16384xf32, #tpu.memory_space<vmem>>, vector<64x16384xf32>
    tpu.vector_store %arg8[%swap3A_37, %swap3A_38], %select_n3A_36 {strides = array<i32>} : memref<64x16384xf32, #tpu.memory_space<vmem>>, vector<64x16384xf32>,
    return
  }
  func.func @transform_0(%arg0: i32) -> (i32, i32) {
    %c0_i32 = arith.constant 0 : i32
    %c0_i32_0 = arith.constant 0 : i32
    return %c0_i32, %arg0 : i32, i32
  }
  func.func @transform_1(%arg0: i32) -> (i32, i32) {
    %c0_i32 = arith.constant 0 : i32
    %c0_i32_0 = arith.constant 0 : i32
    return %c0_i32, %arg0 : i32, i32
  }
  func.func @transform_2(%arg0: i32) -> (i32, i32) {
    %c0_i32 = arith.constant 0 : i32
    %c0_i32_0 = arith.constant 0 : i32
    %c0_i32_1 = arith.constant 0 : i32
    return %c0_i32, %c0_i32_0 : i32, i32
  }
  func.func @transform_3(%arg0: i32) -> (i32, i32) {
    %c0_i32 = arith.constant 0 : i32
    %c0_i32_0 = arith.constant 0 : i32
    %c0_i32_1 = arith.constant 0 : i32
    return %c0_i32, %c0_i32_0 : i32, i32
  }
  func.func @transform_4(%arg0: i32) -> (i32, i32) {
    %c0_i32 = arith.constant 0 : i32
    %c0_i32_0 = arith.constant 0 : i32
    %c0_i32_1 = arith.constant 0 : i32
    return %c0_i32, %c0_i32_0 : i32, i32
  }
  func.func @transform_5(%arg0: i32) -> (i32, i32) {
    %c0_i32 = arith.constant 0 : i32
    %c0_i32_0 = arith.constant 0 : i32
    %c0_i32_1 = arith.constant 0 : i32
    return %c0_i32, %c0_i32_0 : i32, i32
  }
  func.func @transform_6(%arg0: i32) -> (i32, i32) {
    %c0_i32 = arith.constant 0 : i32
    %c0_i32_0 = arith.constant 0 : i32
    return %c0_i32, %arg0 : i32, i32
  }
  func.func @transform_7(%arg0: i32) -> (i32, i32) {
    %c0_i32 = arith.constant 0 : i32
    %c0_i32_0 = arith.constant 0 : i32
    return %c0_i32, %arg0 : i32, i32
  }
}

module attributes {stable_mosaic.version = 14 : i64} {
  func.func @_proto_body(%arg0: memref<1x64xi32, #tpu.memory_space<vmem>>, %arg1: memref<1x64xf32, #tpu.memory_space<vmem>>, %arg2: memref<1000x256xf32, #tpu.memory_space<vmem>>, %arg3: memref<64x256xf32, #tpu.memory_space<vmem>>, %arg4: memref<1000x256xf32, #tpu.memory_space<vmem>>) attributes {dimension_semantics = [], scalar_prefetch = 0 : i64, scratch_operands = 0 : i64, tpu.core_type = #tpu.core_type<tc>} {
    %iota3A = tpu.iota {dimensions = array<i32: 0>} : vector<1000x64xi32>
    %get3A = arith.constant 0 : index
    %get3A_0 = arith.constant 0 : index
    %get3A_1 = vector.load %arg0[%get3A, %get3A_0] : memref<1x64xi32, #tpu.memory_space<vmem>>, vector<1x64xi32>
    %eq3A = vector.broadcast %get3A_1 : vector<1x64xi32> to vector<1000x64xi32>
    %eq3A_2 = arith.cmpi eq, %iota3A, %eq3A : vector<1000x64xi32>
    %jit3A = arith.constant 1.000000e+00 : f32
    %jit3A_3 = arith.constant 0.000000e+00 : f32
    %broadcast_in_dim3A = vector.broadcast %jit3A : f32 to vector<1000x64xf32>
    %broadcast_in_dim3A_4 = vector.broadcast %jit3A_3 : f32 to vector<1000x64xf32>
    %select_n3A = arith.select %eq3A_2, %broadcast_in_dim3A, %broadcast_in_dim3A_4 : vector<1000x64xi1>, vector<1000x64xf32>
    %reduce_sum3A = arith.constant dense<0.000000e+00> : vector<1000xf32>
    %reduce_sum3A_5 = vector.multi_reduction <add>, %select_n3A, %reduce_sum3A [1] : vector<1000x64xf32> to vector<1000xf32>
    %broadcast_in_dim3A_6 = vector.shape_cast %reduce_sum3A_5 : vector<1000xf32> to vector<1000x1xf32>
    %mul3A = arith.constant -0.223143548 : f32
    %mul3A_7 = vector.broadcast %mul3A : f32 to vector<1000x1xf32>
    %mul3A_8 = arith.mulf %broadcast_in_dim3A_6, %mul3A_7 : vector<1000x1xf32>
    %exp3A = math.exp %mul3A_8 : vector<1000x1xf32>
    %get3A_9 = arith.constant 0 : index
    %get3A_10 = arith.constant 0 : index
    %get3A_11 = vector.load %arg1[%get3A_9, %get3A_10] : memref<1x64xf32, #tpu.memory_space<vmem>>, vector<1x64xf32>
    %jit3A_12 = arith.constant 0.000000e+00 : f32
    %broadcast_in_dim3A_13 = vector.shape_cast %get3A_11 : vector<1x64xf32> to vector<1x64xf32>
    %broadcast_in_dim3A_14 = vector.broadcast %broadcast_in_dim3A_13 : vector<1x64xf32> to vector<1000x64xf32>
    %broadcast_in_dim3A_15 = vector.broadcast %jit3A_12 : f32 to vector<1000x64xf32>
    %select_n3A_16 = arith.select %eq3A_2, %broadcast_in_dim3A_14, %broadcast_in_dim3A_15 : vector<1000x64xi1>, vector<1000x64xf32>
    %get3A_17 = arith.constant 0 : index
    %get3A_18 = arith.constant 0 : index
    %get3A_19 = vector.load %arg2[%get3A_17, %get3A_18] : memref<1000x256xf32, #tpu.memory_space<vmem>>, vector<1000x256xf32>
    %mul3A_20 = vector.broadcast %exp3A : vector<1000x1xf32> to vector<1000x256xf32>
    %mul3A_21 = arith.mulf %get3A_19, %mul3A_20 : vector<1000x256xf32>
    %get3A_22 = arith.constant 0 : index
    %get3A_23 = arith.constant 0 : index
    %get3A_24 = vector.load %arg3[%get3A_22, %get3A_23] : memref<64x256xf32, #tpu.memory_space<vmem>>, vector<64x256xf32>
    %dot_general3A = arith.constant dense<0.000000e+00> : vector<1000x256xf32>
    %dot_general3A_25 = tpu.matmul %select_n3A_16, %get3A_24, %dot_general3A {dimension_numbers = #tpu.dot_dimension_numbers<[1], [0], [0], [1], [0, 0, 1, 1], [], []>, precision = #tpu.contract_precision<fp32>, transpose_lhs_hint = false} : vector<1000x64xf32>, vector<64x256xf32>, vector<1000x256xf32> -> vector<1000x256xf32>
    %add3A = arith.addf %mul3A_21, %dot_general3A_25 : vector<1000x256xf32>
    %swap3A = arith.constant 0 : index
    %swap3A_26 = arith.constant 0 : index
    %swap3A_27 = vector.load %arg4[%swap3A, %swap3A_26] : memref<1000x256xf32, #tpu.memory_space<vmem>>, vector<1000x256xf32>
    tpu.vector_store %arg4[%swap3A, %swap3A_26], %add3A {strides = array<i32>} : memref<1000x256xf32, #tpu.memory_space<vmem>>, vector<1000x256xf32>,
    return
  }
}

</mosaic_0001>

<sc_bundles>
// kernel: kernel.10.cloned.1.call-start
scs
__scs_entry_jumppad:
0x0: {  	(pc) =	sbr.rel $0x88, $3  }
0x1: {  	(tag) =	ssettag $0x0;
	lr =	simm.s32 $0x1  }
0x2: {  	[smem:$0x3F9B] =	sst lr;
	_ =	strace $0xD0000000  }
0x3: {  	_ = 	snop  }
0x4: {  	_ = 	snop  }
0x5: {  	_ = 	snop  }
0x6: {  	_ = 	snop  }
0x7: {  	_ = 	snop  }
__scs_overlays_trampoline_lowered:
0x8: {  	[smem:$0x3FAA] =	sst s0  }
0x9: {  	[smem:$0x3FAB] =	sst s1  }
0xa: {  	[smem:$0x3FAC] =	sst s2  }
0xb: {  	[smem:$0x3FAD] =	sst s3  }
0xc: {  	[smem:$0x3FAE] =	sst s4  }
0xd: {  	[smem:$0x3FAF] =	sst s5  }
0xe: {  	[smem:$0x3FB0] =	sst s6  }
0xf: {  	[smem:$0x3FB1] =	sst s7  }
0x10: {  	[smem:$0x3FB2] =	sst s8  }
0x11: {  	[smem:$0x3FB3] =	sst s9;
	s0 =	simm.s32 @!p0 $0x0  }
0x12: {  	s1 =	sld [smem:$0x3F99];
	s0 =	simm.s32 @p0 $0x1  }
0x13: {  	[smem:$0x3FB4] =	sst s0;
	s0 =	simm.s32 @!p1 $0x0  }
0x14: {  	s2 =	sld [smem:$0x3F98];
	s0 =	simm.s32 @p1 $0x1  }
0x15: {  	[smem:$0x3FB5] =	sst s0;
	s0 =	simm.s32 @!p2 $0x0  }
0x16: {  	s3 =	sld [smem:$0x3FDB];
	s0 =	simm.s32 @p2 $0x1  }
0x17: {  	s4 =	simm.s32 $0x1BF5;
	[smem:$0x3FB7] =	sst s0  }
0x18: {  	s0 =	sld [smem:$0x3F9A];
	_ =	swait.ge [sflag:s4], $0x0  }
0x19: {  	s7 =	sld [smem:$0x3F9B]  }
0x1a: {  	s8 =	sadd.s32 $0xFFFFE003, lr  }
0x1b: {  	s9 =	sadd.s32 $0xFFFFFEF7, lr;
	s5 =	simm.s32 $0xFFFFFFFF;
	p2 =	slt.u32 s8, $0xFFFFF086  }
0x1c: {  	p1 =	slt.u32 s9, $0xF7A;
	s5 =	simm.s32 @!p2 $0x0  }
0x1d: {  	s5 =	simm.s32 @p1 $0x1;
	p0 =	seq.s32 s7, s2  }
0x1e: {  	s7 =	smul.u32 @!p0 $0xF7A, s2;
	p2 =	seq.s32 @!p0 s5, $0x0  }
0x1f: {  	s9 =	smul.u32 $0xF7A, s1;
	s8 =	simm.s32 @!p0 $0x1BF5;
	p2 =	por !p2, p0  }
0x20: {  	[sflag:s8] =	ssyncset.s32 @!p0 $0xFFFFF086;
	s6 =	sadd.s32 @!p0 s3, s7;
	s7 =	simm.s32 @!p0 $0x108  }
0x21: {  	s3 =	sadd.s32 s3, s9;
	s6 =	sadd.s32 @!p0 $0x88, s6;
	s7 =	simm.s32 @p2 $0x1082  }
0x22: {  	[simem:s7], [sflag:s8] =	dma.local @!p0 [hbm:s6], $0xF7A  }
0x23: {  	s9 =	sor.u32 $0xD0000000, s2;
	s6 =	simm.s32 $0x108;
	_ =	swait.ge @!p0 [sflag:s8], $0x0  }
0x24: {  	s3 =	sadd.s32 $0x88, s3;
	s6 =	simm.s32 @!p1 $0x1082;
	[sflag:s4] =	ssyncset.s32 $0xFFFFF086  }
0x25: {  	[simem:s6], [sflag:s4] =	dma.local [hbm:s3], $0xF7A  }
0x26: {  	[smem:$0x3F9B] =	sst s1;
	(tag) =	ssettag s2;
	_ =	strace s9  }
0x27: {  	s1 =	sld [smem:$0x3FAB]  }
0x28: {  	s2 =	sld [smem:$0x3FAC]  }
0x29: {  	s4 =	sld [smem:$0x3FAE]  }
0x2a: {  	p0 =	seq.s32 s5, $0x0;
	s5 =	sld [smem:$0x3FAF]  }
0x2b: {  	s6 =	sld [smem:$0x3FB0]  }
0x2c: {  	s7 =	sld [smem:$0x3FB1]  }
0x2d: {  	s3 =	simm.s32 $0x108;
	s8 =	sld [smem:$0x3FB2]  }
0x2e: {  	s3 =	simm.s32 @!p0 $0x1082;
	s9 =	sld [smem:$0x3FB3]  }
0x2f: {  	lr =	sadd.s32 s0, s3;
	s0 =	sld [smem:$0x3FAA]  }
0x30: {  	s3 =	sld [smem:$0x3FAD]  }
0x31: {  	[smem:$0x3FB6] =	sst s10  }
0x32: {  	s10 =	sld [smem:$0x3FB4];
	_ =	sdelay $0x3  }
0x33: {  	p0 =	seq.s32 s10, $0x1;
	s10 =	sld [smem:$0x3FB6];
	_ =	sdelay $0x3  }
0x34: {  	[smem:$0x3FB6] =	sst s10  }
0x35: {  	s10 =	sld [smem:$0x3FB5];
	_ =	sdelay $0x3  }
0x36: {  	p1 =	seq.s32 s10, $0x1;
	s10 =	sld [smem:$0x3FB6];
	_ =	sdelay $0x3  }
0x37: {  	[smem:$0x3FB6] =	sst s10  }
0x38: {  	s10 =	sld [smem:$0x3FB7]  }
0x39: {  	_ = 	snop;
	(pc) =	sbr.ind lr, $3  }
0x3a: {  	_ = 	snop  }
0x3b: {  	_ = 	snop  }
0x3c: {  	p2 =	seq.s32 s10, $0x1;
	s10 =	sld [smem:$0x3FB6]  }
0x3d: {  	_ =	shalt  }
0x3e: {  	_ =	shalt  }
0x3f: {  	_ =	shalt  }
0x40: {  	_ =	shalt  }
0x41: {  	_ =	shalt  }
0x42: {  	_ =	shalt  }
0x43: {  	_ =	shalt  }
0x44: {  	_ =	shalt  }
0x45: {  	_ =	shalt  }
0x46: {  	_ =	shalt  }
0x47: {  	_ =	shalt  }
0x48: {  	_ =	shalt  }
0x49: {  	_ =	shalt  }
0x4a: {  	_ =	shalt  }
0x4b: {  	_ =	shalt  }
0x4c: {  	_ =	shalt  }
0x4d: {  	_ =	shalt  }
0x4e: {  	_ =	shalt  }
0x4f: {  	_ =	shalt  }
0x50: {  	_ =	shalt  }
0x51: {  	_ =	shalt  }
0x52: {  	_ =	shalt  }
0x53: {  	_ =	shalt  }
0x54: {  	_ =	shalt  }
0x55: {  	_ =	shalt  }
0x56: {  	_ =	shalt  }
0x57: {  	_ =	shalt  }
0x58: {  	_ =	shalt  }
0x59: {  	_ =	shalt  }
0x5a: {  	_ =	shalt  }
0x5b: {  	_ =	shalt  }
0x5c: {  	_ =	shalt  }
0x5d: {  	_ =	shalt  }
0x5e: {  	_ =	shalt  }
0x5f: {  	_ =	shalt  }
0x60: {  	_ =	shalt  }
0x61: {  	_ =	shalt  }
0x62: {  	_ =	shalt  }
0x63: {  	_ =	shalt  }
0x64: {  	_ =	shalt  }
0x65: {  	_ =	shalt  }
0x66: {  	_ =	shalt  }
0x67: {  	_ =	shalt  }
0x68: {  	_ =	shalt  }
0x69: {  	_ =	shalt  }
0x6a: {  	_ =	shalt  }
0x6b: {  	_ =	shalt  }
0x6c: {  	_ =	shalt  }
0x6d: {  	_ =	shalt  }
0x6e: {  	_ =	shalt  }
0x6f: {  	_ =	shalt  }
0x70: {  	_ =	shalt  }
0x71: {  	_ =	shalt  }
0x72: {  	_ =	shalt  }
0x73: {  	_ =	shalt  }
0x74: {  	_ =	shalt  }
0x75: {  	_ =	shalt  }
0x76: {  	_ =	shalt  }
0x77: {  	_ =	shalt  }
0x78: {  	_ =	shalt  }
0x79: {  	_ =	shalt  }
0x7a: {  	_ =	shalt  }
0x7b: {  	_ =	shalt  }
0x7c: {  	_ =	shalt  }
0x7d: {  	_ =	shalt  }
0x7e: {  	_ =	shalt  }
0x7f: {  	_ =	shalt  }
0x80: {  	_ =	shalt  }
0x81: {  	_ =	shalt  }
0x82: {  	_ =	shalt  }
0x83: {  	_ =	shalt  }
0x84: {  	_ =	shalt  }
0x85: {  	_ =	shalt  }
0x86: {  	_ =	shalt  }
0x87: {  	_ =	shalt  }
.Lfunc_end0:
.L_simem_size_0:
called_computation.1_lowered:
.L_overlay_start_0:
0x88: {  	s2 =	sld [smem:$0x3FD9]  }
0x89: {  	s3 =	sld [smem:$0x3FFE];
	_ =	sdelay $0x1  }
0x8a: {  	s1 =	srdreg.scid  }
0x8b: {  	s0 =	sand.u32 $0x1, s1  }
0x8c: {  	s14 =	sshll.u32 s0, $0xA;
	s2 =	sadd.s32 s3, s2  }
0x8d: {  	s2 =	sadd.s32 s2, s14  }
0x8e: {  	[smem:$0x3FC2] =	sst s2  }
0x8f: {  	_ = 	snop  }
0x90: {  	s2 =	sld [smem:$0x3FD0];
	_ =	sdelay $0x2  }
0x91: {  	s4 =	simm.s32 $0xA;
	s5 =	simm.s32 $0x10;
	s15 =	sld [smem:$0x3FC4]  }
0x92: {  	[smem:s5], [sflag:s4] =	dma.local [hbm:s2], $0x1  }
0x93: {  	_ =	swait.eq [sflag:s4], $0x1  }
0x94: {  	[sflag:s4] =	ssyncset.done $0x0  }
0x95: {  	s16 =	sld [smem:$0x10];
	[sflag:s4] =	ssyncadd.s32 $0xFFFFFFFF  }
0x96: {  	s17 =	sld [smem:$0x11];
	(tm) =	ssettm $0x1  }
0x97: {  	s18 =	sld [smem:$0x3FFB];
	_ =	sdelay $0x3  }
0x98: {  	_ =	strace s18  }
0x99: {  	s5 =	sld [smem:$0x3FFC];
	_ =	sdelay $0x3  }
0x9a: {  	_ =	strace s5  }
0x9b: {  	s5 =	sld [smem:$0x3FFD];
	_ =	sdelay $0x3  }
0x9c: {  	_ =	strace s5  }
0x9d: {  	_ =	strace $0x8FFFFFFF  }
0x9e: {  	s19 =	sld [smem:$0x3FDB];
	_ =	sdelay $0x1  }
0x9f: {  	s6 =	simm.s32 $_scs_section_size  }
0xa0: {  	s7 =	simm.s32 $_size__tile_overlayer_lowered;
	s8 =	simm.s32 $_tile_overlayer_lowered  }
0xa1: {  	s22 =	simm.s32 $0x1BFF;
	s21 =	sshll.u32 s8, $0x1;
	s5 =	sadd.s32 s6, s19  }
0xa2: {  	s9 =	simm.s32 $0x0;
	s20 =	sshll.u32 s7, $0x1;
	s7 =	sadd.s32 s21, s5  }
0xa3: {  	[timem:s9], [sflag:s22] =	dma.local [hbm:s7], s20  }
0xa4: {  	_ =	swait.ge [sflag:s22], s20  }
0xa5: {  	s6 =	ssub.s32 $0x0, s20;
	[sflag:s22] =	ssyncset.done $0x0  }
0xa6: {  	[sflag:s22] =	ssyncadd.s32 s6;
	_ =	sdelay $0x1  }
0xa7: {  	s23 =	simm.s32 $0x1B8B  }
0xa8: {  	_ =	swait.ge [sflag:s23], $0x1  }
0xa9: {  	[sflag:s23] =	ssyncset.done $0x0  }
0xaa: {  	s25 =	simm.s32 $0x1B8E;
	s24 =	sld [smem:$0x3FFE];
	[sflag:s23] =	ssyncadd.s32 $0xFFFFFFFF  }
0xab: {  	s26 =	simm.s32 $execute0_lowered;
	[smem:$0x3FD2] =	sst s25  }
0xac: {  	s7 =	sshll.u32 s26, $0x1;
	_ =	strace $0x80000049;
	[dreg:$0x1] =	wrdreg $0xFFFFFFFF  }
0xad: {  	s28 =	simm.s32 $_size_execute0_lowered;
	s5 =	sadd.s32 s5, s7;
	[dreg:$0x0] =	wrdreg $0x0  }
0xae: {  	s7 =	sshll.u32 s28, $0x1;
	[dreg:$0x2] =	wrdreg s5  }
0xaf: {  	[dreg:$0x3] =	wrdreg s7  }
0xb0: {  	[dreg:$0x4] =	wrdreg $0xC0  }
0xb1: {  	_ =	task [dreg:s9], $0x5FFFF  }
0xb2: {  	[dreg:$0x1] =	wrdreg $0xFFFFFFFF  }
0xb3: {  	[dreg:$0x0] =	wrdreg $0x60  }
0xb4: {  	[dreg:$0x2] =	wrdreg s17  }
0xb5: {  	[dreg:$0x3] =	wrdreg s16  }
0xb6: {  	[dreg:$0x4] =	wrdreg s15  }
0xb7: {  	[dreg:$0x5] =	wrdreg s24  }
0xb8: {  	[dreg:$0x6] =	wrdreg $0x9  }
0xb9: {  	_ =	task.clear_ibuf [dreg:s9], $0x7FFFF;
	_ =	strace $0x90000049  }
0xba: {  	s29 =	simm.s32 $0x9;
	_ =	strace $0x8000004B  }
0xbb: {  	_ =	swait.ge [sflag:s29], $0x1  }
0xbc: {  	[sflag:s29] =	ssyncadd.s32 $0xFFFFFFFF  }
0xbd: {  	_ =	strace $0x9000004B  }
0xbe: {  	_ =	sfence  }
0xbf: {  	s30 =	sld [smem:$0x0];
	_ =	sdelay $0x2  }
0xc0: {  	s31 =	sshll.u32 s1, $0xD;
	s1 =	sshrl.u32 s1, $0x2  }
0xc1: {  	s3 =	sand.u32 $0x4000, s31;
	s1 =	sadd.s32 s1, s30  }
0xc2: {  	s0 =	sor.u32 s3, s0;
	s1 =	sshll.u32 s1, $0x11  }
0xc3: {  	s0 =	sor.u32 s1, s0  }
0xc4: {  	s0 =	sadd.s32 $0x8F2B, s0  }
0xc5: {  	[sflag:s0] =	ssyncadd.remote.s32 $0x1  }
0xc6: {  	_ =	sfence.sel $0xFFFF  }
0xc7: {  	[dreg:$0x0] =	wrdreg $0xFFFFFFFF;
	(pc) =	sbr.abs _section_cstart, $3  }
0xc8: {  	[dreg:$0x1] =	wrdreg $0xFFFFFFFF  }
0xc9: {  	_ =	task.clear_ibuf [dreg:s9], $0x2FFFF;
	_ =	strace $0x9FFFFFFF  }
0xca: {  	(tm) =	ssettm $0x7FFFFFFF  }
0xcb: {  	_ =	shalt  }
tec
execute0_lowered:
.L_overlay_start_1:
0x0: {  	(tag) =	ssettag $0x1  }
0x1: {  	s8 =	rddreg [dreg:$0x3];
	s5 =	simm.s32 $0x0;
	s6 =	srdreg.scid  }
0x2: {  	s0 =	stileid.u32;
	s14 =	simm.s32 $0x400;
	s15 =	simm.s32 $0x800  }
0x3: {  	s16 =	simm.s32 $0x1080;
	s17 =	simm.s32 $0x0;
	[smem:$0x7FF] =	sst s5  }
0x4: {  	s6 =	sand.u32 $0x1, s6;
	s9 =	sshll.u32 s0, $0x9;
	s10 =	sshrl.u32 s0, $0x1  }
0x5: {  	s13 =	sadd.s32 $0x400, s8;
	_ =	strace $0x8000004A;
	s7 =	ssub.s32 $0x2, s6  }
0x6: {  	s6 =	sshll.u32 s6, $0x8;
	s9 =	sand.u32 $0x200, s9;
	s12 =	sshll.u32 s10, $0xA  }
0x7: {  	s29 =	sshll.u32 s10, $0xB;
	s11 =	sshrl.u32 s7, $0x1;
	s9 =	sor.u32 s6, s9  }
0x8: {  	s11 =	ssub.s32 s7, s11;
	s6 =	sor.u32 s12, s9;
	s30 =	sor.u32 $0x80, s9  }
0x9: {  	s9 =	sor.u32 s29, s9;
	s6 =	sshrl.u32 s6, $0x3;
	s12 =	sor.u32 s12, s30  }
0xa: {  	s9 =	sshrl.u32 s9, $0x3;
	s10 =	sor.u32 s29, s30;
	s6 =	sadd.s32 s8, s6  }
0xb: {  	s12 =	sshrl.u32 s12, $0x3;
	s7 =	sadd.s32 s13, s9;
	s31 =	sshrl.u32 s10, $0x3  }
0xc: {  	s10 =	smax.u32 s11, $0x1;
	s11 =	simm.s32 $0x1000;
	s8 =	sadd.s32 s8, s12  }
0xd: {  	v0 =	vimm.s32 $0x0;
	s9 =	sadd.s32 s13, s31;
	s12 =	simm.s32 $0x1;
	s13 =	simm.s32 $0x80  }
.LBB2_1:
0xe: {  	[tilespmem:s11], [sflag:$0x1] =	stream.linear.gather [hbm4b:s6+s5], $0x80, $0x38;
	[tilespmem:$0x1180] =	vst v63  }
0xf: {  	_ =	swait.ge [sflag:s12], $0x80  }
0x10: {  	[sflag:s12] =	ssyncset.done $0x0  }
0x11: {  	[sflag:s12] =	ssyncadd.s32 $0xFFFFFF80  }
0x12: {  	v1 =	vld [tilespmem:$0x1000];
	_ =	sdelay $0x4  }
0x13: {  	(xrf0) =	vadd.scan.msk.s32 $0xffff, v1;
	_ =	sdelay $0x2  }
0x14: {  	v1 =	vld [tilespmem:$0x1010]  }
0x15: {  	v2 =	vld [tilespmem:$0x1050];
	_ =	sdelay $0x1  }
0x16: {  	v3, _, _ =	vpop (xrf0)  }
0x17: {  	(v2sf) =	vpush v3, $0xF  }
0x18: {  	(xrf0) =	vadd.scan.msk.s32 $0xffff, v1  }
0x19: {  	(xrf0) =	vadd.scan.msk.s32 $0xffff, v2;
	_ =	sdelay $0x4  }
0x1a: {  	v1, _, _ =	vpop (xrf0)  }
0x1b: {  	(v2sf) =	vpush v1, $0xF;
	v1, _, _ =	vpop (xrf0)  }
0x1c: {  	(v2sf) =	vpush v1, $0xF;
	_ =	sdelay $0x5  }
0x1d: {  	s18 =	spop (v2sf)  }
0x1e: {  	s19 =	sshra.s32 s18, $0x1F  }
0x1f: {  	s19 =	sshrl.u32 s19, $0x1C  }
0x20: {  	s18 =	sadd.s32 s19, s18  }
0x21: {  	s18 =	sshra.s32 s18, $0x4  }
0x22: {  	s19 =	sshll.u32 s18, $0xB;
	s18 =	sshll.u32 s18, $0x7  }
0x23: {  	s20 =	sand.u32 $0xFFFFC000, s19;
	s18 =	sand.u32 $0x380, s18  }
0x24: {  	s18 =	sor.u32 s18, s20  }
0x25: {  	s0 =	rddreg [dreg:$0x0];
	v2 =	vld [tilespmem:$0x1030];
	s4 =	spop (v2sf);
	s18 =	sshrl.u32 s18, $0x3  }
0x26: {  	v3 =	vld [tilespmem:$0x1040];
	s21 =	spop (v2sf);
	s22 =	sadd.s32 s0, s18  }
0x27: {  	v1 =	vld [tilespmem:$0x1020];
	[tilespmem:s5], [sflag:$0x1] =	stream.strided.gather [hbm4b:s22+s13], $0x800, s14, s13, $0x38  }
0x28: {  	_ =	swait.ge [sflag:s12], $0x800  }
0x29: {  	[sflag:s12] =	ssyncset.done $0x0  }
0x2a: {  	[sflag:s12] =	ssyncadd.s32 $0xFFFFF800  }
0x2b: {  	s23 =	rddreg [dreg:$0x1]  }
0x2c: {  	s18 =	sadd.s32 s23, s18  }
0x2d: {  	[tilespmem:s15], [sflag:$0x1] =	stream.strided.gather [hbm4b:s18+s13], $0x800, s14, s13, $0x38;
	[tilespmem:$0x1180] =	vst v63  }
0x2e: {  	_ =	swait.ge [sflag:s12], $0x800  }
0x2f: {  	[sflag:s12] =	ssyncset.done $0x0  }
0x30: {  	s24 =	simm.s32 $0x0;
	[sflag:s12] =	ssyncadd.s32 $0xFFFFF800  }
0x31: {  	v4 =	vld [tilespmem:s24+$0x0]  }
0x32: {  	v5 =	vld [tilespmem:s24+$0x800]  }
0x33: {  	s25 =	simm.s32 $0x10  }
0x34: {  	v6 =	vld [tilespmem:s25+$0x0]  }
0x35: {  	v7 =	vld [tilespmem:s25+$0x800];
	_ =	sdelay $0x1  }
0x36: {  	vm0 =	veq.s32 v4, v1;
	vm1 =	vne.s32 v5, v2  }
0x37: {  	s26 =	simm.s32 $0x20;
	p0 =	sgt.s32 s21, $0xF;
	vm3 =	veq.s32 v4, v3;
	vm0 =	vmand vm0, vm1  }
0x38: {  	v5 =	vld [tilespmem:s26+$0x800];
	vm3 =	vmmov @p0 vm0  }
0x39: {  	vm2 =	vne.s32 v7, v2;
	vm0 =	veq.s32 v6, v1;
	v4 =	vsel vm3, $0x1, v0  }
0x3a: {  	vm1 =	veq.s32 v6, v3;
	vm0 =	vmand vm0, vm2;
	(xrf0) =	vadd.scan.msk.s32 $0xffff, v4  }
0x3b: {  	v4 =	vld [tilespmem:s26+$0x0];
	vm1 =	vmmov @p0 vm0  }
0x3c: {  	s0 =	simm.s32 $0x30;
	v6 =	vsel vm1, $0x1, v0  }
0x3d: {  	vm4 =	vne.s32 v5, v2;
	v5 =	vld [tilespmem:s0+$0x800];
	(xrf0) =	vadd.scan.msk.s32 $0xffff, v6  }
0x3e: {  	s30 =	sshra.s32 s4, $0x1F  }
0x3f: {  	s18 =	sshrl.u32 s30, $0x1C;
	v7 =	vld [tilespmem:s0+$0x0]  }
0x40: {  	s18 =	sadd.s32 s18, s4;
	vm0 =	veq.s32 v4, v1;
	v6, _, _ =	vpop (xrf0)  }
0x41: {  	s18 =	sshra.s32 s18, $0x4;
	vm2 =	veq.s32 v4, v3;
	vm0 =	vmand vm0, vm4;
	(v2sf) =	vpush v6, $0xF  }
0x42: {  	s1 =	ssub.s32 s18, s5;
	vm3 =	vmmov vm3;
	vm12 =	vne.s32 v5, v2;
	vm2 =	vmmov @p0 vm0  }
0x43: {  	vm0 =	vmmov vm3;
	vm3 =	veq.s32 v6, s1;
	v4, _, _ =	vpop (xrf0);
	v8 =	vsel vm2, $0x1, v0  }
0x44: {  	vm0 =	vmand vm0, vm3;
	vm3 =	veq.s32 v7, v1;
	(v2sf) =	vpush v4, $0xF;
	(xrf0) =	vadd.scan.msk.s32 $0xffff, v8  }
0x45: {  	v6 =	vmctz.xlane vm0;
	vm0 =	veq.s32 v7, v3;
	vm3 =	vmand vm3, vm12  }
0x46: {  	vm0 =	vmmov @p0 vm3  }
0x47: {  	v5 =	vsel vm0, $0x1, v0;
	_ =	sdelay $0x1  }
0x48: {  	(xrf0) =	vadd.scan.msk.s32 $0xffff, v6  }
0x49: {  	(xrf0) =	vadd.scan.msk.s32 $0xffff, v5;
	v5, _, _ =	vpop (xrf0)  }
0x4a: {  	(v2sf) =	vpush v5, $0xF  }
0x4b: {  	s4 =	simm.s32 $0x50  }
0x4c: {  	v9 =	vld [tilespmem:s4+$0x0]  }
0x4d: {  	s2 =	simm.s32 $0x40  }
0x4e: {  	v8 =	vld [tilespmem:s2+$0x800]  }
0x4f: {  	v6 =	vld [tilespmem:s2+$0x0];
	s3 =	spop (v2sf)  }
0x50: {  	s20 =	sadd.s32 $0x0, s3  }
0x51: {  	vm14 =	veq.s32 v9, v1;
	s23 =	ssub.s32 s18, s20  }
0x52: {  	vm1 =	vmmov vm1;
	vm2 =	vmmov vm2;
	v7, _, _ =	vpop (xrf0);
	vm3 =	veq.s32 v4, s23;
	v4 =	vld [tilespmem:s4+$0x800]  }
0x53: {  	vm1 =	vmmov vm1;
	vm2 =	vmmov vm2;
	(v2sf) =	vpush v7, $0xF;
	s24 =	spop (v2sf)  }
0x54: {  	vm13 =	vne.s32 v8, v2;
	s22 =	sadd.s32 s20, s24;
	vm3 =	vmand vm1, vm3;
	vm1 =	veq.s32 v6, v1  }
0x55: {  	v7, _, _ =	vpop (xrf0);
	s21 =	ssub.s32 s18, s22;
	vm4 =	vmand vm1, vm13;
	vm1 =	veq.s32 v6, v3;
	v6 =	vmctz.xlane vm3  }
0x56: {  	(v2sf) =	vpush v7, $0xF;
	vm3 =	veq.s32 v5, s21;
	vm1 =	vmmov @p0 vm4  }
0x57: {  	vm2 =	vmand vm2, vm3;
	vm3 =	veq.s32 v9, v3;
	(xrf0) =	vadd.scan.msk.s32 $0xffff, v6;
	vm5 =	vne.s32 v4, v2  }
0x58: {  	s25 =	simm.s32 $0x60;
	v6 =	vsel vm1, $0x1, v0;
	v4 =	vmctz.xlane vm2;
	vm2 =	vmand vm14, vm5  }
0x59: {  	(xrf0) =	vadd.scan.msk.s32 $0xffff, v6;
	v6 =	vld [tilespmem:s25+$0x800];
	s26 =	spop (v2sf);
	vm3 =	vmmov @p0 vm2  }
0x5a: {  	(xrf0) =	vadd.scan.msk.s32 $0xffff, v4;
	s24 =	sadd.s32 s22, s26;
	v4 =	vsel vm3, $0x1, v0  }
0x5b: {  	vm0 =	vmmov vm0;
	s21 =	ssub.s32 s18, s24  }
0x5c: {  	vm0 =	vmmov vm0;
	v5 =	vld [tilespmem:s25+$0x0];
	(xrf0) =	vadd.scan.msk.s32 $0xffff, v4;
	vm2 =	veq.s32 v7, s21  }
0x5d: {  	vm0 =	vmand vm0, vm2;
	v4, _, _ =	vpop (xrf0)  }
0x5e: {  	vm15 =	vne.s32 v6, v2;
	v6 =	vmctz.xlane vm0;
	(v2sf) =	vpush v4, $0xF;
	_ =	sdelay $0x1  }
0x5f: {  	v4, _, _ =	vpop (xrf0)  }
0x60: {  	vm2 =	veq.s32 v5, v1;
	vm0 =	veq.s32 v5, v3;
	(v2sf) =	vpush v4, $0xF;
	v5, _, _ =	vpop (xrf0)  }
0x61: {  	s30 =	spop (v2sf);
	(xrf0) =	vadd.scan.msk.s32 $0xffff, v6;
	(v2sf) =	vpush v5, $0xF;
	v6, _, _ =	vpop (xrf0)  }
0x62: {  	s23 =	sshra.s32 s30, $0x1F;
	(v2sf) =	vpush v6, $0xF  }
0x63: {  	s28 =	simm.s32 $0x200;
	s23 =	sshrl.u32 s23, $0x1C  }
0x64: {  	p1 =	sgt.s32 s18, $0x0;
	p2 =	sge.s32 s20, s18;
	vm2 =	vmand vm2, vm15;
	s21 =	sadd.s32 s23, s30  }
0x65: {  	s26 =	simm.s32 $0x70;
	s25 =	spop (v2sf);
	vm0 =	vmmov @p0 vm2;
	s21 =	sshra.s32 s21, $0x4  }
0x66: {  	vm1 =	vmmov vm1;
	v7 =	vld [tilespmem:s26+$0x800];
	s23 =	sadd.s32 s24, s25;
	v8 =	vsel vm0, $0x1, v0;
	s31 =	sadd.s32 s21, s19;
	s21 =	simm.s32 $0x0  }
0x67: {  	vm2 =	vmmov vm1;
	vm1 =	vmmov vm3;
	s25 =	smov.u32 s24;
	v5 =	vld [tilespmem:s26+$0x0];
	s29 =	ssub.s32 s18, s23;
	(xrf0) =	vadd.scan.msk.s32 $0xffff, v8;
	s26 =	smov.u32 s22  }
.LBB2_2:
0x68: {  	vm3 =	veq.s32 v4, s29;
	s29 =	smov.u32 s21  }
0x69: {  	s19 =	sadd.s32 $0x10, s19;
	s30 =	smov.u32 s28;
	s0 =	sadd.s32 $0x40, s28  }
0x6a: {  	v4 =	vmov v6;
	s29 =	smov.u32 @p2 s31;
	s31 =	smov.u32 s22;
	s22 =	smov.u32 s24  }
0x6b: {  	p3 =	sne.s32 s28, $0x1FC0;
	vm3 =	vmand vm2, vm3;
	vm2 =	vmmov vm1;
	vm1 =	vmmov vm0;
	s24 =	smov.u32 s23;
	s21 =	smov.u32 @p1 s29  }
0x6c: {  	s4 =	smov.u32 s20;
	s20 =	smov.u32 s26;
	vm4 =	veq.s32 v5, v1;
	v9 =	vmctz.xlane vm3;
	v8, _, _ =	vpop (xrf0);
	s28 =	spop (v2sf)  }
.Ltmp0:
0x6d: {  	s26 =	smov.u32 s25;
	vm0 =	veq.s32 v5, v3;
	vm3 =	vne.s32 v7, v2;
	(v2sf) =	vpush v8, $0xF;
	s29 =	sshra.s32 s28, $0x1F;
	(pc) =	sbr.rel @p3 .LBB2_2-.Ltmp0, $4  }
0x6e: {  	s25 =	smov.u32 s23;
	s30 =	sshra.s32 s30, $0x2;
	vm3 =	vmand vm4, vm3;
	(xrf0) =	vadd.scan.msk.s32 $0xffff, v9;
	s29 =	sshrl.u32 s29, $0x1C  }
0x6f: {  	p2 =	sge.s32 s31, s18;
	vm0 =	vmmov @p0 vm3;
	v5 =	vld [tilespmem:s30+$0x0];
	v6, _, _ =	vpop (xrf0);
	s1 =	spop (v2sf);
	s28 =	sadd.s32 s29, s28  }
0x70: {  	p1 =	sgt.s32 s18, s4;
	v8 =	vsel vm0, $0x1, v0;
	v7 =	vld [tilespmem:s30+$0x800];
	(v2sf) =	vpush v6, $0xF;
	s23 =	sadd.s32 s23, s1;
	s1 =	sshra.s32 s28, $0x4  }
0x71: {  	s28 =	smov.u32 s0;
	(xrf0) =	vadd.scan.msk.s32 $0xffff, v8;
	s29 =	ssub.s32 s18, s23;
	s31 =	sadd.s32 s1, s19  }
0x72: {  	_ =	sdelay $0x3  }
0x73: {  	v8, _, _ =	vpop (xrf0)  }
0x74: {  	(v2sf) =	vpush v8, $0xF;
	v8, _, _ =	vpop (xrf0)  }
0x75: {  	(v2sf) =	vpush v8, $0xF;
	_ =	sdelay $0x1  }
0x76: {  	vm3 =	veq.s32 v4, s29;
	s0 =	spop (v2sf)  }
0x77: {  	vm2 =	vmand vm2, vm3;
	s1 =	spop (v2sf)  }
0x78: {  	vm3 =	veq.s32 v5, v1;
	v1 =	vmctz.xlane vm2;
	s30 =	sadd.s32 s23, s1;
	vm4 =	vne.s32 v7, v2  }
0x79: {  	vm2 =	veq.s32 v5, v3;
	s1 =	ssub.s32 s18, s30;
	vm3 =	vmand vm3, vm4  }
0x7a: {  	vm1 =	vmmov vm1;
	vm2 =	vmmov @p0 vm3;
	(xrf0) =	vadd.scan.msk.s32 $0xffff, v1;
	vm3 =	veq.s32 v6, s1  }
0x7b: {  	v1 =	vsel vm2, $0x1, v0;
	vm1 =	vmand vm1, vm3  }
0x7c: {  	(xrf0) =	vadd.scan.msk.s32 $0xffff, v1;
	v1 =	vmctz.xlane vm1;
	_ =	sdelay $0x2  }
0x7d: {  	s1 =	spop (v2sf)  }
0x7e: {  	(xrf0) =	vadd.scan.msk.s32 $0xffff, v1;
	v1, _, _ =	vpop (xrf0);
	s4 =	spop (v2sf)  }
0x7f: {  	(v2sf) =	vpush v1, $0xF;
	s28 =	sadd.s32 s30, s4  }
0x80: {  	vm0 =	vmmov vm0;
	v1, _, _ =	vpop (xrf0);
	s4 =	ssub.s32 s18, s28;
	s2 =	spop (v2sf)  }
0x81: {  	vm0 =	vmmov vm0;
	(v2sf) =	vpush v1, $0xF;
	vm1 =	veq.s32 v8, s4;
	s3 =	spop (v2sf)  }
0x82: {  	vm0 =	vmand vm0, vm1;
	s29 =	sadd.s32 s28, s3  }
0x83: {  	vm1 =	vmmov vm2;
	v2 =	vmctz.xlane vm0;
	s4 =	ssub.s32 s18, s29  }
0x84: {  	vm0 =	vmmov vm1;
	vm1 =	veq.s32 v1, s4  }
0x85: {  	(xrf0) =	vadd.scan.msk.s32 $0xffff, v2;
	vm0 =	vmand vm0, vm1  }
0x86: {  	v2 =	vmctz.xlane vm0  }
0x87: {  	v1, _, _ =	vpop (xrf0)  }
0x88: {  	s3 =	smov.u32 s21;
	s4 =	sshra.s32 s0, $0x1F;
	(v2sf) =	vpush v1, $0xF;
	(xrf0) =	vadd.scan.msk.s32 $0xffff, v2  }
0x89: {  	p0 =	sge.s32 s22, s18;
	s3 =	smov.u32 @p2 s31;
	s4 =	sshrl.u32 s4, $0x1C  }
0x8a: {  	s22 =	sshra.s32 s1, $0x1F;
	s21 =	smov.u32 @p1 s3;
	s0 =	sadd.s32 s4, s0  }
0x8b: {  	p1 =	sgt.s32 s18, s20;
	v1, _, _ =	vpop (xrf0);
	s4 =	sadd.s32 $0x10, s19;
	s0 =	sshra.s32 s0, $0x4  }
0x8c: {  	s20 =	sshrl.u32 s22, $0x1C;
	s3 =	smov.u32 s21;
	(v2sf) =	vpush v1, $0xF;
	s0 =	sadd.s32 s0, s4  }
0x8d: {  	s19 =	sshra.s32 s2, $0x1F;
	s22 =	sadd.s32 $0x10, s4;
	s3 =	smov.u32 @p0 s0  }
0x8e: {  	s0 =	sadd.s32 s20, s1;
	p0 =	sge.s32 s24, s18;
	s20 =	spop (v2sf);
	v1, _, _ =	vpop (xrf0)  }
0x8f: {  	s1 =	sadd.s32 $0x10, s22;
	s21 =	smov.u32 @p1 s3;
	s0 =	sshra.s32 s0, $0x4;
	(v2sf) =	vpush v1, $0xF  }
0x90: {  	p1 =	sgt.s32 s18, s26;
	s3 =	sshrl.u32 s19, $0x1C;
	s24 =	spop (v2sf)  }
0x91: {  	s0 =	sadd.s32 s0, s22;
	s4 =	smov.u32 s21;
	s2 =	sadd.s32 s3, s2  }
0x92: {  	s22 =	sshra.s32 s20, $0x1F;
	s4 =	smov.u32 @p0 s0;
	s2 =	sshra.s32 s2, $0x4  }
0x93: {  	p0 =	sge.s32 s23, s18;
	s21 =	smov.u32 @p1 s4;
	p1 =	sgt.s32 s18, s25  }
0x94: {  	s2 =	sadd.s32 s2, s1;
	s1 =	sadd.s32 $0x10, s1;
	s3 =	smov.u32 s21  }
0x95: {  	s3 =	smov.u32 @p0 s2;
	s2 =	sshrl.u32 s22, $0x1C;
	p0 =	sge.s32 s30, s18  }
0x96: {  	s21 =	smov.u32 @p1 s3;
	s0 =	sadd.s32 s2, s20;
	s2 =	sadd.s32 s29, s24  }
0x97: {  	p1 =	sgt.s32 s18, s23;
	s0 =	sshra.s32 s0, $0x4;
	s25 =	spop (v2sf)  }
0x98: {  	s19 =	smov.u32 s21;
	s0 =	sadd.s32 s0, s1;
	s26 =	sshra.s32 s25, $0x1F  }
0x99: {  	s20 =	sadd.s32 $0x10, s1;
	s19 =	smov.u32 @p0 s0;
	s4 =	sshrl.u32 s26, $0x1C  }
0x9a: {  	p0 =	sge.s32 s28, s18;
	s0 =	sadd.s32 $0x10, s20;
	s22 =	sadd.s32 s4, s25  }
0x9b: {  	s21 =	smov.u32 @p1 s19;
	s23 =	spop (v2sf);
	s1 =	sshra.s32 s22, $0x4  }
0x9c: {  	s4 =	smov.u32 s21;
	s24 =	sshra.s32 s23, $0x1F;
	s1 =	sadd.s32 s1, s20  }
0x9d: {  	p1 =	sgt.s32 s18, s30;
	s25 =	sshrl.u32 s24, $0x1C;
	s4 =	smov.u32 @p0 s1  }
0x9e: {  	s1 =	sadd.s32 s25, s23;
	p0 =	sge.s32 s29, s18;
	s26 =	spop (v2sf)  }
0x9f: {  	s21 =	smov.u32 @p1 s4;
	s1 =	sshra.s32 s1, $0x4;
	s30 =	sshra.s32 s26, $0x1F  }
0xa0: {  	s1 =	sadd.s32 s1, s0;
	s19 =	smov.u32 s21;
	s4 =	sshrl.u32 s30, $0x1C  }
0xa1: {  	p1 =	sgt.s32 s18, s28;
	s19 =	smov.u32 @p0 s1;
	s4 =	sadd.s32 s4, s26  }
0xa2: {  	s0 =	sadd.s32 $0x10, s0;
	s21 =	smov.u32 @p1 s19;
	s1 =	sshra.s32 s4, $0x4  }
0xa3: {  	p0 =	sge.s32 s2, s18;
	s0 =	sadd.s32 s1, s0;
	s1 =	smov.u32 s21  }
0xa4: {  	p1 =	sgt.s32 s18, s29;
	s1 =	smov.u32 @p0 s0  }
0xa5: {  	s21 =	smov.u32 @p1 s1  }
0xa6: {  	s19 =	sshll.u32 s21, $0x8;
	s1 =	sshll.u32 s21, $0x7  }
0xa7: {  	s0 =	sand.u32 $0xFFFFF800, s19;
	s1 =	sand.u32 $0x380, s1  }
0xa8: {  	s0 =	sor.u32 s1, s0  }
0xa9: {  	s20 =	rddreg [dreg:$0x2];
	s0 =	sshrl.u32 s0, $0x3  }
0xaa: {  	s0 =	sadd.s32 s20, s0  }
0xab: {  	[tilespmem:s16], [sflag:$0x1] =	stream.strided.gather [hbm4b:s0+s13], $0x100, s14, s13, $0x38;
	[tilespmem:$0x1180] =	vst v63  }
0xac: {  	_ =	swait.ge [sflag:s12], $0x100  }
0xad: {  	[sflag:s12] =	ssyncset.done $0x0  }
0xae: {  	[sflag:s12] =	ssyncadd.s32 $0xFFFFFF00  }
0xaf: {  	[hbm4b:s7+s13] =	stream.strided.scatter [tilespmem:s16], [sflag:$0x1], $0x100, s14, s13, $0x38;
	[tilespmem:$0x1180] =	vst v63  }
0xb0: {  	_ =	swait.ge [sflag:s12], $0x100  }
0xb1: {  	[sflag:s12] =	ssyncset.done $0x0  }
0xb2: {  	s18 =	simm.s32 $0x0;
	[sflag:s12] =	ssyncadd.s32 $0xFFFFFF00  }
0xb3: {  	[tilespmem:s11], [sflag:$0x1] =	stream.linear.gather [hbm4b:s8+s18], $0x80, $0x38;
	[tilespmem:$0x1180] =	vst v63  }
0xb4: {  	_ =	swait.ge [sflag:s12], $0x80  }
0xb5: {  	[sflag:s12] =	ssyncset.done $0x0  }
0xb6: {  	[sflag:s12] =	ssyncadd.s32 $0xFFFFFF80  }
0xb7: {  	v1 =	vld [tilespmem:$0x1000];
	_ =	sdelay $0x4  }
0xb8: {  	(xrf0) =	vadd.scan.msk.s32 $0xffff, v1;
	_ =	sdelay $0x2  }
0xb9: {  	v1 =	vld [tilespmem:$0x1010]  }
0xba: {  	v2 =	vld [tilespmem:$0x1050];
	_ =	sdelay $0x1  }
0xbb: {  	v3, _, _ =	vpop (xrf0)  }
0xbc: {  	(v2sf) =	vpush v3, $0xF  }
0xbd: {  	(xrf0) =	vadd.scan.msk.s32 $0xffff, v1  }
0xbe: {  	(xrf0) =	vadd.scan.msk.s32 $0xffff, v2;
	_ =	sdelay $0x4  }
0xbf: {  	v1, _, _ =	vpop (xrf0)  }
0xc0: {  	(v2sf) =	vpush v1, $0xF;
	v1, _, _ =	vpop (xrf0)  }
0xc1: {  	(v2sf) =	vpush v1, $0xF;
	_ =	sdelay $0x5  }
0xc2: {  	s21 =	spop (v2sf)  }
0xc3: {  	s22 =	sshra.s32 s21, $0x1F  }
0xc4: {  	s1 =	sshrl.u32 s22, $0x1C  }
0xc5: {  	s0 =	sadd.s32 s1, s21  }
0xc6: {  	s0 =	sshra.s32 s0, $0x4  }
0xc7: {  	s20 =	sshll.u32 s0, $0xB;
	s0 =	sshll.u32 s0, $0x7  }
0xc8: {  	s23 =	sand.u32 $0xFFFFC000, s20;
	s0 =	sand.u32 $0x380, s0  }
0xc9: {  	s0 =	sor.u32 s0, s23  }
0xca: {  	s26 =	rddreg [dreg:$0x0];
	v2 =	vld [tilespmem:$0x1030];
	s24 =	spop (v2sf);
	s0 =	sshrl.u32 s0, $0x3  }
0xcb: {  	v3 =	vld [tilespmem:$0x1040];
	s25 =	spop (v2sf);
	s3 =	sadd.s32 s26, s0  }
0xcc: {  	v1 =	vld [tilespmem:$0x1020];
	[tilespmem:s18], [sflag:$0x1] =	stream.strided.gather [hbm4b:s3+s13], $0x800, s14, s13, $0x38  }
0xcd: {  	_ =	swait.ge [sflag:s12], $0x800  }
0xce: {  	[sflag:s12] =	ssyncset.done $0x0  }
0xcf: {  	[sflag:s12] =	ssyncadd.s32 $0xFFFFF800  }
0xd0: {  	s30 =	rddreg [dreg:$0x1]  }
0xd1: {  	s0 =	sadd.s32 s30, s0  }
0xd2: {  	[tilespmem:s15], [sflag:$0x1] =	stream.strided.gather [hbm4b:s0+s13], $0x800, s14, s13, $0x38;
	[tilespmem:$0x1180] =	vst v63  }
0xd3: {  	_ =	swait.ge [sflag:s12], $0x800  }
0xd4: {  	[sflag:s12] =	ssyncset.done $0x0  }
0xd5: {  	s4 =	simm.s32 $0x0;
	[sflag:s12] =	ssyncadd.s32 $0xFFFFF800  }
0xd6: {  	v4 =	vld [tilespmem:s4+$0x0]  }
0xd7: {  	v5 =	vld [tilespmem:s4+$0x800];
	_ =	sdelay $0x1  }
0xd8: {  	s19 =	simm.s32 $0x10  }
0xd9: {  	v6 =	vld [tilespmem:s19+$0x0]  }
0xda: {  	v7 =	vld [tilespmem:s19+$0x800]  }
0xdb: {  	vm0 =	veq.s32 v4, v1;
	vm1 =	vne.s32 v5, v2  }
0xdc: {  	p0 =	sgt.s32 s25, $0xF;
	vm3 =	veq.s32 v4, v3;
	vm0 =	vmand vm0, vm1  }
0xdd: {  	vm3 =	vmmov @p0 vm0  }
0xde: {  	v4 =	vsel vm3, $0x1, v0  }
0xdf: {  	vm2 =	vne.s32 v7, v2;
	vm0 =	veq.s32 v6, v1;
	(xrf0) =	vadd.scan.msk.s32 $0xffff, v4  }
0xe0: {  	vm1 =	veq.s32 v6, v3;
	vm0 =	vmand vm0, vm2  }
0xe1: {  	vm1 =	vmmov @p0 vm0  }
0xe2: {  	v6 =	vsel vm1, $0x1, v0  }
0xe3: {  	s21 =	simm.s32 $0x20;
	(xrf0) =	vadd.scan.msk.s32 $0xffff, v6  }
0xe4: {  	v5 =	vld [tilespmem:s21+$0x800]  }
0xe5: {  	v4 =	vld [tilespmem:s21+$0x0];
	v6, _, _ =	vpop (xrf0)  }
0xe6: {  	(v2sf) =	vpush v6, $0xF;
	_ =	sdelay $0x2  }
0xe7: {  	v7, _, _ =	vpop (xrf0)  }
0xe8: {  	s22 =	sshra.s32 s24, $0x1F;
	s23 =	simm.s32 $0x30;
	vm11 =	vne.s32 v5, v2;
	vm0 =	veq.s32 v4, v1;
	(v2sf) =	vpush v7, $0xF  }
0xe9: {  	s0 =	sshrl.u32 s22, $0x1C;
	v5 =	vld [tilespmem:s23+$0x0];
	vm2 =	veq.s32 v4, v3;
	vm0 =	vmand vm0, vm11  }
0xea: {  	s0 =	sadd.s32 s0, s24;
	v4 =	vld [tilespmem:s23+$0x800];
	vm2 =	vmmov @p0 vm0  }
0xeb: {  	s19 =	sshra.s32 s0, $0x4;
	v8 =	vsel vm2, $0x1, v0  }
0xec: {  	s0 =	ssub.s32 s19, s18;
	vm3 =	vmmov vm3;
	(xrf0) =	vadd.scan.msk.s32 $0xffff, v8  }
0xed: {  	vm0 =	vmmov vm3;
	vm3 =	veq.s32 v6, s0  }
0xee: {  	vm0 =	vmand vm0, vm3  }
0xef: {  	s26 =	simm.s32 $0x50;
	vm3 =	veq.s32 v5, v1;
	v6 =	vmctz.xlane vm0;
	vm12 =	vne.s32 v4, v2  }
0xf0: {  	v9 =	vld [tilespmem:s26+$0x0];
	vm0 =	veq.s32 v5, v3;
	vm3 =	vmand vm3, vm12  }
0xf1: {  	s24 =	simm.s32 $0x40;
	(xrf0) =	vadd.scan.msk.s32 $0xffff, v6;
	vm0 =	vmmov @p0 vm3  }
0xf2: {  	v8 =	vld [tilespmem:s24+$0x800];
	v4 =	vsel vm0, $0x1, v0;
	v5, _, _ =	vpop (xrf0)  }
0xf3: {  	(xrf0) =	vadd.scan.msk.s32 $0xffff, v4;
	v4 =	vld [tilespmem:s24+$0x0];
	(v2sf) =	vpush v5, $0xF;
	s25 =	spop (v2sf)  }
0xf4: {  	s21 =	sadd.s32 $0x0, s25  }
0xf5: {  	vm14 =	veq.s32 v9, v1;
	s30 =	ssub.s32 s19, s21  }
0xf6: {  	vm1 =	vmmov vm1;
	vm2 =	vmmov vm2;
	vm3 =	veq.s32 v7, s30;
	v7 =	vld [tilespmem:s26+$0x800]  }
0xf7: {  	vm1 =	vmmov vm1;
	vm2 =	vmmov vm2;
	vm13 =	vne.s32 v8, v2;
	v6, _, _ =	vpop (xrf0);
	s2 =	spop (v2sf)  }
0xf8: {  	(v2sf) =	vpush v6, $0xF;
	s22 =	sadd.s32 s21, s2;
	vm3 =	vmand vm1, vm3;
	vm1 =	veq.s32 v4, v1  }
0xf9: {  	v6, _, _ =	vpop (xrf0);
	s0 =	ssub.s32 s19, s22;
	vm4 =	vmand vm1, vm13;
	vm1 =	veq.s32 v4, v3;
	v4 =	vmctz.xlane vm3  }
0xfa: {  	(v2sf) =	vpush v6, $0xF;
	vm3 =	veq.s32 v5, s0;
	vm1 =	vmmov @p0 vm4  }
0xfb: {  	vm2 =	vmand vm2, vm3;
	vm3 =	veq.s32 v9, v3;
	(xrf0) =	vadd.scan.msk.s32 $0xffff, v4;
	vm5 =	vne.s32 v7, v2  }
0xfc: {  	v4 =	vsel vm1, $0x1, v0;
	v5 =	vmctz.xlane vm2;
	vm2 =	vmand vm14, vm5  }
0xfd: {  	(xrf0) =	vadd.scan.msk.s32 $0xffff, v4;
	vm3 =	vmmov @p0 vm2  }
0xfe: {  	s3 =	simm.s32 $0x60;
	(xrf0) =	vadd.scan.msk.s32 $0xffff, v5;
	v5 =	vsel vm3, $0x1, v0  }
0xff: {  	v4 =	vld [tilespmem:s3+$0x800]  }
0x100: {  	(xrf0) =	vadd.scan.msk.s32 $0xffff, v5  }
0x101: {  	v5, _, _ =	vpop (xrf0)  }
0x102: {  	s4 =	spop (v2sf);
	(v2sf) =	vpush v5, $0xF  }
0x103: {  	v7 =	vld [tilespmem:s3+$0x0];
	s24 =	sadd.s32 s22, s4  }
0x104: {  	s0 =	ssub.s32 s19, s24;
	vm15 =	vne.s32 v4, v2;
	v4, _, _ =	vpop (xrf0)  }
0x105: {  	vm2 =	veq.s32 v6, s0;
	(v2sf) =	vpush v4, $0xF;
	v6, _, _ =	vpop (xrf0)  }
0x106: {  	vm0 =	vmmov vm0;
	(v2sf) =	vpush v6, $0xF;
	v6, _, _ =	vpop (xrf0)  }
0x107: {  	vm0 =	vmmov vm0;
	s23 =	spop (v2sf);
	(v2sf) =	vpush v6, $0xF  }
0x108: {  	s28 =	simm.s32 $0x200;
	s25 =	sshra.s32 s23, $0x1F;
	vm0 =	vmand vm0, vm2;
	vm2 =	veq.s32 v7, v1  }
0x109: {  	p1 =	sgt.s32 s19, $0x0;
	p2 =	sge.s32 s21, s19;
	s1 =	sshrl.u32 s25, $0x1C;
	vm2 =	vmand vm2, vm15;
	v5 =	vmctz.xlane vm0;
	vm0 =	veq.s32 v7, v3  }
0x10a: {  	s26 =	simm.s32 $0x70;
	s0 =	sadd.s32 s1, s23;
	s30 =	spop (v2sf);
	vm0 =	vmmov @p0 vm2  }
0x10b: {  	vm1 =	vmmov vm1;
	s25 =	smov.u32 s24;
	s0 =	sshra.s32 s0, $0x4;
	v7 =	vld [tilespmem:s26+$0x800];
	s23 =	sadd.s32 s24, s30;
	(xrf0) =	vadd.scan.msk.s32 $0xffff, v5;
	v8 =	vsel vm0, $0x1, v0  }
0x10c: {  	vm2 =	vmmov vm1;
	vm1 =	vmmov vm3;
	s31 =	sadd.s32 s0, s20;
	v5 =	vld [tilespmem:s26+$0x0];
	s29 =	ssub.s32 s19, s23;
	s26 =	smov.u32 s22;
	(xrf0) =	vadd.scan.msk.s32 $0xffff, v8  }
.LBB2_4:
0x10d: {  	s0 =	smov.u32 s18  }
0x10e: {  	s20 =	sadd.s32 $0x10, s20;
	s1 =	smov.u32 s28;
	s2 =	sadd.s32 $0x40, s28  }
0x10f: {  	vm3 =	veq.s32 v4, s29;
	v4 =	vmov v6;
	s3 =	smov.u32 s22;
	s22 =	smov.u32 s24;
	s0 =	smov.u32 @p2 s31  }
0x110: {  	p3 =	sne.s32 s28, $0x1FC0;
	s24 =	smov.u32 s23;
	vm3 =	vmand vm2, vm3;
	vm2 =	vmmov vm1;
	vm1 =	vmmov vm0;
	s18 =	smov.u32 @p1 s0  }
0x111: {  	s4 =	smov.u32 s21;
	s21 =	smov.u32 s26;
	vm4 =	veq.s32 v5, v1;
	v9 =	vmctz.xlane vm3;
	v8, _, _ =	vpop (xrf0);
	s0 =	spop (v2sf)  }
.Ltmp1:
0x112: {  	s26 =	smov.u32 s25;
	vm0 =	veq.s32 v5, v3;
	vm3 =	vne.s32 v7, v2;
	(v2sf) =	vpush v8, $0xF;
	s28 =	sshra.s32 s0, $0x1F;
	(pc) =	sbr.rel @p3 .LBB2_4-.Ltmp1, $4  }
0x113: {  	s25 =	smov.u32 s23;
	s1 =	sshra.s32 s1, $0x2;
	vm3 =	vmand vm4, vm3;
	(xrf0) =	vadd.scan.msk.s32 $0xffff, v9;
	s28 =	sshrl.u32 s28, $0x1C  }
0x114: {  	p2 =	sge.s32 s3, s19;
	vm0 =	vmmov @p0 vm3;
	v5 =	vld [tilespmem:s1+$0x0];
	v6, _, _ =	vpop (xrf0);
	s29 =	spop (v2sf);
	s0 =	sadd.s32 s28, s0  }
0x115: {  	p1 =	sgt.s32 s19, s4;
	v8 =	vsel vm0, $0x1, v0;
	v7 =	vld [tilespmem:s1+$0x800];
	(v2sf) =	vpush v6, $0xF;
	s23 =	sadd.s32 s23, s29;
	s0 =	sshra.s32 s0, $0x4  }
0x116: {  	s28 =	smov.u32 s2;
	(xrf0) =	vadd.scan.msk.s32 $0xffff, v8;
	s29 =	ssub.s32 s19, s23;
	s31 =	sadd.s32 s0, s20  }
0x117: {  	_ =	sdelay $0x3  }
0x118: {  	v8, _, _ =	vpop (xrf0)  }
0x119: {  	(v2sf) =	vpush v8, $0xF;
	v63, _, _ =	vpop (xrf0)  }
0x11a: {  	(v2sf) =	vpush v63, $0xF  }
0x11b: {  	vm3 =	veq.s32 v4, s29;
	s0 =	spop (v2sf)  }
0x11c: {  	vm2 =	vmand vm2, vm3;
	s1 =	spop (v2sf)  }
0x11d: {  	vm10 =	veq.s32 v5, v1;
	v1 =	vmctz.xlane vm2;
	s30 =	sadd.s32 s23, s1;
	vm4 =	vne.s32 v7, v2  }
0x11e: {  	vm2 =	veq.s32 v5, v3;
	s1 =	ssub.s32 s19, s30;
	vm3 =	vmand vm10, vm4  }
0x11f: {  	vm1 =	vmmov vm1;
	(xrf0) =	vadd.scan.msk.s32 $0xffff, v1;
	vm11 =	veq.s32 v6, s1;
	vm2 =	vmmov @p0 vm3  }
0x120: {  	vm1 =	vmand vm1, vm11;
	v1 =	vsel vm2, $0x1, v0  }
0x121: {  	(xrf0) =	vadd.scan.msk.s32 $0xffff, v1;
	v1 =	vmctz.xlane vm1;
	_ =	sdelay $0x3  }
0x122: {  	(xrf0) =	vadd.scan.msk.s32 $0xffff, v1;
	s1 =	spop (v2sf);
	v1, _, _ =	vpop (xrf0)  }
0x123: {  	(v2sf) =	vpush v1, $0xF;
	s2 =	spop (v2sf)  }
0x124: {  	s28 =	sadd.s32 s30, s2  }
0x125: {  	vm0 =	vmmov vm0;
	s2 =	ssub.s32 s19, s28;
	s3 =	spop (v2sf)  }
0x126: {  	vm0 =	vmmov vm0;
	v1, _, _ =	vpop (xrf0);
	vm12 =	veq.s32 v63, s2;
	s29 =	spop (v2sf)  }
0x127: {  	(v2sf) =	vpush v1, $0xF;
	vm0 =	vmand vm0, vm12;
	s29 =	sadd.s32 s28, s29  }
0x128: {  	vm13 =	vmmov vm2;
	v2 =	vmctz.xlane vm0;
	s2 =	ssub.s32 s19, s29  }
0x129: {  	vm14 =	vmmov vm13;
	vm15 =	veq.s32 v1, s2  }
0x12a: {  	(xrf0) =	vadd.scan.msk.s32 $0xffff, v2;
	vm0 =	vmand vm14, vm15  }
0x12b: {  	v2 =	vmctz.xlane vm0  }
0x12c: {  	s4 =	smov.u32 s18;
	v1, _, _ =	vpop (xrf0)  }
0x12d: {  	s4 =	smov.u32 @p2 s31;
	(v2sf) =	vpush v1, $0xF;
	(xrf0) =	vadd.scan.msk.s32 $0xffff, v2  }
0x12e: {  	s18 =	smov.u32 @p1 s4;
	p1 =	sgt.s32 s19, s21;
	s2 =	sshra.s32 s0, $0x1F  }
0x12f: {  	s4 =	smov.u32 s18;
	s31 =	sshra.s32 s1, $0x1F;
	s2 =	sshrl.u32 s2, $0x1C  }
0x130: {  	p0 =	sge.s32 s22, s19;
	s22 =	sshrl.u32 s31, $0x1C;
	s0 =	sadd.s32 s2, s0;
	v1, _, _ =	vpop (xrf0)  }
0x131: {  	s2 =	sadd.s32 $0x10, s20;
	s20 =	sshra.s32 s3, $0x1F;
	s0 =	sshra.s32 s0, $0x4;
	(v2sf) =	vpush v1, $0xF  }
0x132: {  	s31 =	sadd.s32 $0x10, s2;
	s21 =	spop (v2sf);
	s0 =	sadd.s32 s0, s2  }
0x133: {  	s2 =	sshrl.u32 s20, $0x1C;
	s4 =	smov.u32 @p0 s0;
	s0 =	sadd.s32 s22, s1;
	v1, _, _ =	vpop (xrf0)  }
0x134: {  	p0 =	sge.s32 s24, s19;
	s2 =	sadd.s32 s2, s3;
	s1 =	sadd.s32 $0x10, s31;
	(v2sf) =	vpush v1, $0xF  }
0x135: {  	s22 =	sshra.s32 s21, $0x1F;
	s18 =	smov.u32 @p1 s4;
	s0 =	sshra.s32 s0, $0x4  }
0x136: {  	s24 =	spop (v2sf);
	s0 =	sadd.s32 s0, s31;
	s4 =	smov.u32 s18  }
0x137: {  	p1 =	sgt.s32 s19, s26;
	s2 =	sshra.s32 s2, $0x4;
	s4 =	smov.u32 @p0 s0  }
0x138: {  	s2 =	sadd.s32 s2, s1;
	s1 =	sadd.s32 $0x10, s1;
	s18 =	smov.u32 @p1 s4  }
0x139: {  	p0 =	sge.s32 s23, s19;
	s31 =	sadd.s32 $0x10, s1;
	s3 =	smov.u32 s18  }
0x13a: {  	p1 =	sgt.s32 s19, s25;
	s3 =	smov.u32 @p0 s2;
	s2 =	sshrl.u32 s22, $0x1C  }
0x13b: {  	p0 =	sge.s32 s30, s19;
	s18 =	smov.u32 @p1 s3;
	s0 =	sadd.s32 s2, s21  }
0x13c: {  	s2 =	sadd.s32 s29, s24;
	s0 =	sshra.s32 s0, $0x4;
	s25 =	spop (v2sf)  }
0x13d: {  	s20 =	smov.u32 s18;
	s0 =	sadd.s32 s0, s1;
	s26 =	sshra.s32 s25, $0x1F  }
0x13e: {  	p1 =	sgt.s32 s19, s23;
	s20 =	smov.u32 @p0 s0;
	s4 =	sshrl.u32 s26, $0x1C  }
0x13f: {  	p0 =	sge.s32 s28, s19;
	s0 =	sadd.s32 $0x10, s31;
	s21 =	sadd.s32 s4, s25  }
0x140: {  	s18 =	smov.u32 @p1 s20;
	s22 =	spop (v2sf);
	s1 =	sshra.s32 s21, $0x4  }
0x141: {  	s4 =	smov.u32 s18;
	s23 =	sshra.s32 s22, $0x1F;
	s1 =	sadd.s32 s1, s31  }
0x142: {  	p1 =	sgt.s32 s19, s30;
	s24 =	sshrl.u32 s23, $0x1C;
	s4 =	smov.u32 @p0 s1  }
0x143: {  	s1 =	sadd.s32 s24, s22;
	p0 =	sge.s32 s29, s19;
	s25 =	spop (v2sf)  }
0x144: {  	s18 =	smov.u32 @p1 s4;
	s1 =	sshra.s32 s1, $0x4;
	s26 =	sshra.s32 s25, $0x1F  }
0x145: {  	s1 =	sadd.s32 s1, s0;
	s20 =	smov.u32 s18;
	s4 =	sshrl.u32 s26, $0x1C  }
0x146: {  	p1 =	sgt.s32 s19, s28;
	s20 =	smov.u32 @p0 s1;
	s28 =	sadd.s32 s4, s25  }
0x147: {  	s0 =	sadd.s32 $0x10, s0;
	s18 =	smov.u32 @p1 s20;
	s1 =	sshra.s32 s28, $0x4  }
0x148: {  	p0 =	sge.s32 s2, s19;
	s0 =	sadd.s32 s1, s0;
	s1 =	smov.u32 s18  }
0x149: {  	p1 =	sgt.s32 s19, s29;
	s1 =	smov.u32 @p0 s0  }
0x14a: {  	s18 =	smov.u32 @p1 s1  }
0x14b: {  	s30 =	sshll.u32 s18, $0x8;
	s1 =	sshll.u32 s18, $0x7  }
0x14c: {  	s0 =	sand.u32 $0xFFFFF800, s30;
	s1 =	sand.u32 $0x380, s1  }
0x14d: {  	s0 =	sor.u32 s1, s0  }
0x14e: {  	s31 =	rddreg [dreg:$0x2];
	s0 =	sshrl.u32 s0, $0x3  }
0x14f: {  	s0 =	sadd.s32 s31, s0  }
0x150: {  	[tilespmem:s16], [sflag:$0x1] =	stream.strided.gather [hbm4b:s0+s13], $0x100, s14, s13, $0x38;
	[tilespmem:$0x1180] =	vst v63  }
0x151: {  	s17 =	sadd.s32 $0x1, s17;
	_ =	swait.ge [sflag:s12], $0x100  }
0x152: {  	p0 =	sne.s32 s17, s10;
	[sflag:s12] =	ssyncset.done $0x0  }
.Ltmp2:
0x153: {  	[sflag:s12] =	ssyncadd.s32 $0xFFFFFF00;
	(pc) =	sbr.rel @p0 .LBB2_1-.Ltmp2, $4  }
0x154: {  	[hbm4b:s9+s13] =	stream.strided.scatter [tilespmem:s16], [sflag:$0x1], $0x100, s14, s13, $0x38;
	[tilespmem:$0x1180] =	vst v63  }
0x155: {  	_ =	swait.ge [sflag:s12], $0x100  }
0x156: {  	[sflag:s12] =	ssyncset.done $0x0  }
0x157: {  	[sflag:s12] =	ssyncadd.s32 $0xFFFFFF00  }
0x158: {  	_ =	sfence.sel $0x180000  }
0x159: {  	[bflag:$0x0] =	sbarrier.arrive $0xFFFF  }
0x15a: {  	_ =	strace $0x9000004A  }
0x15b: {  	s0 =	stileid.u32;
	[bflag:$0x2] =	sbarrier.arrive $0xFFFF  }
0x15c: {  	p0 =	sne.s32 s0, $0x0;
	s0 =	rddreg [dreg:$0x4]  }
0x15d: {  	s0 =	sadd.s32 @!p0 $0x100000, s0  }
0x15e: {  	[sflag:s0] =	ssyncadd.tile.s32 @!p0 $0x1;
	_ =	shalt  }
.Lfunc_end2:
_tile_overlayer_lowered:
.L_overlay_start_2:
0x15f: {  	(tag) =	ssettag $0x2  }
0x160: {  	s0 =	rddreg [dreg:$0x0];
	s2 =	stileid.u32  }
0x161: {  	s1 =	rddreg [dreg:$0x1];
	p0 =	sne.s32 s2, $0x0  }
0x162: {  	s3 =	rddreg [dreg:$0x2];
	[bflag:$0x3] =	sbarrier.arrive $0xFFFF;
	s2 =	simm.s32 @!p0 $0x1C01  }
0x163: {  	[timem:s3], [sflag:s2] =	dma.local @!p0 [hbm:s0], s1  }
0x164: {  	s0 =	simm.s32 @!p0 $0x1  }
0x165: {  	_ =	swait.ge @!p0 [sflag:s0], s1  }
0x166: {  	s1 =	ssub.s32 @!p0 $0x0, s1;
	[sflag:s0] =	ssyncset.done @!p0 $0x0  }
0x167: {  	[sflag:s0] =	ssyncadd.s32 @!p0 s1  }
0x168: {  	[bflag:$0x3] =	sbarrier.arrive $0xFFFF  }
0x169: {  	_ =	shalt  }

// kernel: kernel.7.cloned.1.call-start
scs
__scs_entry_jumppad:
0x0: {  	(pc) =	sbr.rel $0x88, $3  }
0x1: {  	(tag) =	ssettag $0x0;
	lr =	simm.s32 $0x1  }
0x2: {  	[smem:$0x3F9B] =	sst lr;
	_ =	strace $0xD0000000  }
0x3: {  	_ = 	snop  }
0x4: {  	_ = 	snop  }
0x5: {  	_ = 	snop  }
0x6: {  	_ = 	snop  }
0x7: {  	_ = 	snop  }
__scs_overlays_trampoline_lowered:
0x8: {  	[smem:$0x3FAA] =	sst s0  }
0x9: {  	[smem:$0x3FAB] =	sst s1  }
0xa: {  	[smem:$0x3FAC] =	sst s2  }
0xb: {  	[smem:$0x3FAD] =	sst s3  }
0xc: {  	[smem:$0x3FAE] =	sst s4  }
0xd: {  	[smem:$0x3FAF] =	sst s5  }
0xe: {  	[smem:$0x3FB0] =	sst s6  }
0xf: {  	[smem:$0x3FB1] =	sst s7  }
0x10: {  	[smem:$0x3FB2] =	sst s8  }
0x11: {  	[smem:$0x3FB3] =	sst s9;
	s0 =	simm.s32 @!p0 $0x0  }
0x12: {  	s1 =	sld [smem:$0x3F99];
	s0 =	simm.s32 @p0 $0x1  }
0x13: {  	[smem:$0x3FB4] =	sst s0;
	s0 =	simm.s32 @!p1 $0x0  }
0x14: {  	s2 =	sld [smem:$0x3F98];
	s0 =	simm.s32 @p1 $0x1  }
0x15: {  	[smem:$0x3FB5] =	sst s0;
	s0 =	simm.s32 @!p2 $0x0  }
0x16: {  	s3 =	sld [smem:$0x3FDB];
	s0 =	simm.s32 @p2 $0x1  }
0x17: {  	s4 =	simm.s32 $0x1BF5;
	[smem:$0x3FB7] =	sst s0  }
0x18: {  	s0 =	sld [smem:$0x3F9A];
	_ =	swait.ge [sflag:s4], $0x0  }
0x19: {  	s7 =	sld [smem:$0x3F9B]  }
0x1a: {  	s8 =	sadd.s32 $0xFFFFE003, lr  }
0x1b: {  	s9 =	sadd.s32 $0xFFFFFEF7, lr;
	s5 =	simm.s32 $0xFFFFFFFF;
	p2 =	slt.u32 s8, $0xFFFFF086  }
0x1c: {  	p1 =	slt.u32 s9, $0xF7A;
	s5 =	simm.s32 @!p2 $0x0  }
0x1d: {  	s5 =	simm.s32 @p1 $0x1;
	p0 =	seq.s32 s7, s2  }
0x1e: {  	s7 =	smul.u32 @!p0 $0xF7A, s2;
	p2 =	seq.s32 @!p0 s5, $0x0  }
0x1f: {  	s9 =	smul.u32 $0xF7A, s1;
	s8 =	simm.s32 @!p0 $0x1BF5;
	p2 =	por !p2, p0  }
0x20: {  	[sflag:s8] =	ssyncset.s32 @!p0 $0xFFFFF086;
	s6 =	sadd.s32 @!p0 s3, s7;
	s7 =	simm.s32 @!p0 $0x108  }
0x21: {  	s3 =	sadd.s32 s3, s9;
	s6 =	sadd.s32 @!p0 $0x88, s6;
	s7 =	simm.s32 @p2 $0x1082  }
0x22: {  	[simem:s7], [sflag:s8] =	dma.local @!p0 [hbm:s6], $0xF7A  }
0x23: {  	s9 =	sor.u32 $0xD0000000, s2;
	s6 =	simm.s32 $0x108;
	_ =	swait.ge @!p0 [sflag:s8], $0x0  }
0x24: {  	s3 =	sadd.s32 $0x88, s3;
	s6 =	simm.s32 @!p1 $0x1082;
	[sflag:s4] =	ssyncset.s32 $0xFFFFF086  }
0x25: {  	[simem:s6], [sflag:s4] =	dma.local [hbm:s3], $0xF7A  }
0x26: {  	[smem:$0x3F9B] =	sst s1;
	(tag) =	ssettag s2;
	_ =	strace s9  }
0x27: {  	s1 =	sld [smem:$0x3FAB]  }
0x28: {  	s2 =	sld [smem:$0x3FAC]  }
0x29: {  	s4 =	sld [smem:$0x3FAE]  }
0x2a: {  	p0 =	seq.s32 s5, $0x0;
	s5 =	sld [smem:$0x3FAF]  }
0x2b: {  	s6 =	sld [smem:$0x3FB0]  }
0x2c: {  	s7 =	sld [smem:$0x3FB1]  }
0x2d: {  	s3 =	simm.s32 $0x108;
	s8 =	sld [smem:$0x3FB2]  }
0x2e: {  	s3 =	simm.s32 @!p0 $0x1082;
	s9 =	sld [smem:$0x3FB3]  }
0x2f: {  	lr =	sadd.s32 s0, s3;
	s0 =	sld [smem:$0x3FAA]  }
0x30: {  	s3 =	sld [smem:$0x3FAD]  }
0x31: {  	[smem:$0x3FB6] =	sst s10  }
0x32: {  	s10 =	sld [smem:$0x3FB4];
	_ =	sdelay $0x3  }
0x33: {  	p0 =	seq.s32 s10, $0x1;
	s10 =	sld [smem:$0x3FB6];
	_ =	sdelay $0x3  }
0x34: {  	[smem:$0x3FB6] =	sst s10  }
0x35: {  	s10 =	sld [smem:$0x3FB5];
	_ =	sdelay $0x3  }
0x36: {  	p1 =	seq.s32 s10, $0x1;
	s10 =	sld [smem:$0x3FB6];
	_ =	sdelay $0x3  }
0x37: {  	[smem:$0x3FB6] =	sst s10  }
0x38: {  	s10 =	sld [smem:$0x3FB7]  }
0x39: {  	_ = 	snop;
	(pc) =	sbr.ind lr, $3  }
0x3a: {  	_ = 	snop  }
0x3b: {  	_ = 	snop  }
0x3c: {  	p2 =	seq.s32 s10, $0x1;
	s10 =	sld [smem:$0x3FB6]  }
0x3d: {  	_ =	shalt  }
0x3e: {  	_ =	shalt  }
0x3f: {  	_ =	shalt  }
0x40: {  	_ =	shalt  }
0x41: {  	_ =	shalt  }
0x42: {  	_ =	shalt  }
0x43: {  	_ =	shalt  }
0x44: {  	_ =	shalt  }
0x45: {  	_ =	shalt  }
0x46: {  	_ =	shalt  }
0x47: {  	_ =	shalt  }
0x48: {  	_ =	shalt  }
0x49: {  	_ =	shalt  }
0x4a: {  	_ =	shalt  }
0x4b: {  	_ =	shalt  }
0x4c: {  	_ =	shalt  }
0x4d: {  	_ =	shalt  }
0x4e: {  	_ =	shalt  }
0x4f: {  	_ =	shalt  }
0x50: {  	_ =	shalt  }
0x51: {  	_ =	shalt  }
0x52: {  	_ =	shalt  }
0x53: {  	_ =	shalt  }
0x54: {  	_ =	shalt  }
0x55: {  	_ =	shalt  }
0x56: {  	_ =	shalt  }
0x57: {  	_ =	shalt  }
0x58: {  	_ =	shalt  }
0x59: {  	_ =	shalt  }
0x5a: {  	_ =	shalt  }
0x5b: {  	_ =	shalt  }
0x5c: {  	_ =	shalt  }
0x5d: {  	_ =	shalt  }
0x5e: {  	_ =	shalt  }
0x5f: {  	_ =	shalt  }
0x60: {  	_ =	shalt  }
0x61: {  	_ =	shalt  }
0x62: {  	_ =	shalt  }
0x63: {  	_ =	shalt  }
0x64: {  	_ =	shalt  }
0x65: {  	_ =	shalt  }
0x66: {  	_ =	shalt  }
0x67: {  	_ =	shalt  }
0x68: {  	_ =	shalt  }
0x69: {  	_ =	shalt  }
0x6a: {  	_ =	shalt  }
0x6b: {  	_ =	shalt  }
0x6c: {  	_ =	shalt  }
0x6d: {  	_ =	shalt  }
0x6e: {  	_ =	shalt  }
0x6f: {  	_ =	shalt  }
0x70: {  	_ =	shalt  }
0x71: {  	_ =	shalt  }
0x72: {  	_ =	shalt  }
0x73: {  	_ =	shalt  }
0x74: {  	_ =	shalt  }
0x75: {  	_ =	shalt  }
0x76: {  	_ =	shalt  }
0x77: {  	_ =	shalt  }
0x78: {  	_ =	shalt  }
0x79: {  	_ =	shalt  }
0x7a: {  	_ =	shalt  }
0x7b: {  	_ =	shalt  }
0x7c: {  	_ =	shalt  }
0x7d: {  	_ =	shalt  }
0x7e: {  	_ =	shalt  }
0x7f: {  	_ =	shalt  }
0x80: {  	_ =	shalt  }
0x81: {  	_ =	shalt  }
0x82: {  	_ =	shalt  }
0x83: {  	_ =	shalt  }
0x84: {  	_ =	shalt  }
0x85: {  	_ =	shalt  }
0x86: {  	_ =	shalt  }
0x87: {  	_ =	shalt  }
.Lfunc_end0:
.L_simem_size_0:
called_computation_lowered:
.L_overlay_start_0:
0x88: {  	s2 =	sld [smem:$0x3FD9]  }
0x89: {  	s3 =	sld [smem:$0x3FFE];
	_ =	sdelay $0x1  }
0x8a: {  	s1 =	srdreg.scid  }
0x8b: {  	s0 =	sand.u32 $0x1, s1  }
0x8c: {  	s15 =	sshll.u32 s0, $0xA;
	s2 =	sadd.s32 s3, s2  }
0x8d: {  	s2 =	sadd.s32 s2, s15  }
0x8e: {  	[smem:$0x3FC2] =	sst s2  }
0x8f: {  	_ = 	snop  }
0x90: {  	s2 =	sld [smem:$0x3FD0];
	_ =	sdelay $0x1  }
0x91: {  	s16 =	sld [smem:$0x3FC6]  }
0x92: {  	s5 =	simm.s32 $0xA;
	s6 =	simm.s32 $0x10;
	s4 =	sld [smem:$0x3FC5]  }
0x93: {  	[smem:s6], [sflag:s5] =	dma.local [hbm:s2], $0x1  }
0x94: {  	_ =	swait.eq [sflag:s5], $0x1  }
0x95: {  	[sflag:s5] =	ssyncset.done $0x0  }
0x96: {  	s17 =	sld [smem:$0x12];
	[sflag:s5] =	ssyncadd.s32 $0xFFFFFFFF  }
0x97: {  	s18 =	sld [smem:$0x13];
	(tm) =	ssettm $0x1  }
0x98: {  	s19 =	sld [smem:$0x3FFB];
	_ =	sdelay $0x3  }
0x99: {  	_ =	strace s19  }
0x9a: {  	s6 =	sld [smem:$0x3FFC];
	_ =	sdelay $0x3  }
0x9b: {  	_ =	strace s6  }
0x9c: {  	s6 =	sld [smem:$0x3FFD];
	_ =	sdelay $0x3  }
0x9d: {  	_ =	strace s6  }
0x9e: {  	_ =	strace $0x8FFFFFFF  }
0x9f: {  	s20 =	sld [smem:$0x3FDB];
	_ =	sdelay $0x1  }
0xa0: {  	s7 =	simm.s32 $_scs_section_size  }
0xa1: {  	s8 =	simm.s32 $_size__tile_overlayer_lowered;
	s9 =	simm.s32 $_tile_overlayer_lowered  }
0xa2: {  	s23 =	simm.s32 $0x1BFF;
	s22 =	sshll.u32 s9, $0x1;
	s6 =	sadd.s32 s7, s20  }
0xa3: {  	s10 =	simm.s32 $0x0;
	s21 =	sshll.u32 s8, $0x1;
	s8 =	sadd.s32 s22, s6  }
0xa4: {  	[timem:s10], [sflag:s23] =	dma.local [hbm:s8], s21  }
0xa5: {  	_ =	swait.ge [sflag:s23], s21  }
0xa6: {  	s7 =	ssub.s32 $0x0, s21;
	[sflag:s23] =	ssyncset.done $0x0  }
0xa7: {  	[sflag:s23] =	ssyncadd.s32 s7;
	_ =	sdelay $0x1  }
0xa8: {  	s24 =	simm.s32 $0x1B8B  }
0xa9: {  	_ =	swait.ge [sflag:s24], $0x1  }
0xaa: {  	[sflag:s24] =	ssyncset.done $0x0  }
0xab: {  	s25 =	simm.s32 $0x1B8E;
	[sflag:s24] =	ssyncadd.s32 $0xFFFFFFFF  }
0xac: {  	s26 =	simm.s32 $execute0_lowered;
	[smem:$0x3FD2] =	sst s25  }
0xad: {  	s7 =	sshll.u32 s26, $0x1;
	_ =	strace $0x80000046;
	[dreg:$0x1] =	wrdreg $0xFFFFFFFF  }
0xae: {  	s28 =	simm.s32 $_size_execute0_lowered;
	s6 =	sadd.s32 s6, s7;
	[dreg:$0x0] =	wrdreg $0x0  }
0xaf: {  	s7 =	sshll.u32 s28, $0x1;
	[dreg:$0x2] =	wrdreg s6  }
0xb0: {  	[dreg:$0x3] =	wrdreg s7  }
0xb1: {  	[dreg:$0x4] =	wrdreg $0xC0  }
0xb2: {  	_ =	task [dreg:s10], $0x5FFFF  }
0xb3: {  	[dreg:$0x1] =	wrdreg $0xFFFFFFFF  }
0xb4: {  	[dreg:$0x0] =	wrdreg $0x60  }
0xb5: {  	[dreg:$0x2] =	wrdreg s16  }
0xb6: {  	[dreg:$0x3] =	wrdreg s4  }
0xb7: {  	[dreg:$0x4] =	wrdreg s18  }
0xb8: {  	[dreg:$0x5] =	wrdreg s17  }
0xb9: {  	[dreg:$0x6] =	wrdreg $0x9  }
0xba: {  	_ =	task.clear_ibuf [dreg:s10], $0x7FFFF;
	_ =	strace $0x90000046  }
0xbb: {  	s29 =	simm.s32 $0x9;
	_ =	strace $0x80000048  }
0xbc: {  	_ =	swait.ge [sflag:s29], $0x1  }
0xbd: {  	[sflag:s29] =	ssyncadd.s32 $0xFFFFFFFF  }
0xbe: {  	_ =	strace $0x90000048  }
0xbf: {  	_ =	sfence  }
0xc0: {  	s30 =	sld [smem:$0x0];
	_ =	sdelay $0x2  }
0xc1: {  	s31 =	sshll.u32 s1, $0xD;
	s1 =	sshrl.u32 s1, $0x2  }
0xc2: {  	s3 =	sand.u32 $0x4000, s31;
	s1 =	sadd.s32 s1, s30  }
0xc3: {  	s0 =	sor.u32 s3, s0;
	s1 =	sshll.u32 s1, $0x11  }
0xc4: {  	s0 =	sor.u32 s1, s0  }
0xc5: {  	s0 =	sadd.s32 $0x8F2B, s0  }
0xc6: {  	[sflag:s0] =	ssyncadd.remote.s32 $0x1  }
0xc7: {  	_ =	sfence.sel $0xFFFF  }
0xc8: {  	[dreg:$0x0] =	wrdreg $0xFFFFFFFF;
	(pc) =	sbr.abs _section_cstart, $3  }
0xc9: {  	[dreg:$0x1] =	wrdreg $0xFFFFFFFF  }
0xca: {  	_ =	task.clear_ibuf [dreg:s10], $0x2FFFF;
	_ =	strace $0x9FFFFFFF  }
0xcb: {  	(tm) =	ssettm $0x7FFFFFFF  }
tec
execute0_lowered:
.L_overlay_start_1:
0x0: {  	(tag) =	ssettag $0x1  }
0x1: {  	s0 =	srdreg.scid  }
0x2: {  	s13 =	sand.u32 $0x1, s0;
	s0 =	stileid.u32  }
0x3: {  	s6 =	sor.u32 s0, s13  }
0x4: {  	p0 =	sne.s32 s6, $0x0  }
.Ltmp0:
0x5: {  	s2 =	rddreg [dreg:$0x0];
	(pc) =	sbr.rel @p0 .LBB2_4-.Ltmp0, $4  }
0x6: {  	s3 =	rddreg [dreg:$0x1]  }
0x7: {  	s4 =	rddreg [dreg:$0x2]  }
0x8: {  	s5 =	rddreg [dreg:$0x3]  }
0x9: {  	s1 =	rddreg [dreg:$0x4];
	_ =	strace $0x80000047  }
0xa: {  	s7 =	simm.s32 $0x0;
	s6 =	simm.s32 $0x2  }
0xb: {  	[tilespmem:s7], [sflag:$0x2] =	stream.linear.gather [hbm4b:s4+s7], $0x100, $0x38;
	[tilespmem:$0x200] =	vst v63  }
0xc: {  	_ =	swait.ge [sflag:s6], $0x100  }
0xd: {  	s8 =	simm.s32 $0x80;
	[sflag:s6] =	ssyncset.done $0x0  }
0xe: {  	s9 =	simm.s32 $0x100;
	s10 =	simm.s32 $0x1;
	[sflag:s6] =	ssyncadd.s32 $0xFFFFFF00  }
0xf: {  	[tilespmem:s9], [sflag:$0x1] =	stream.indirect.gather [hbm4b:s2+s8], $0x1, s7, s8, $0xb8;
	[tilespmem:$0x200] =	vst v63  }
0x10: {  	s13 =	ssub.s32 $0x2, s13;
	_ =	swait.ge [sflag:s10], $0x80  }
0x11: {  	s11 =	simm.s32 $0x40;
	s14 =	sshrl.u32 s13, $0x1;
	[sflag:s10] =	ssyncset.done $0x0  }
0x12: {  	s12 =	simm.s32 $0x180;
	s13 =	ssub.s32 s13, s14;
	[sflag:s10] =	ssyncadd.s32 $0xFFFFFF80  }
0x13: {  	[tilespmem:s12], [sflag:$0x1] =	stream.indirect.gather [hbm4b:s3+s11], $0x1, s8, s11, $0xb8;
	[tilespmem:$0x200] =	vst v63  }
0x14: {  	p0 =	sne.s32 s13, $0x1;
	_ =	swait.ge [sflag:s10], $0x40  }
.Ltmp1:
0x15: {  	[sflag:s10] =	ssyncset.done $0x0;
	(pc) =	sbr.rel @!p0 .LBB2_3-.Ltmp1, $4  }
0x16: {  	[sflag:s10] =	ssyncadd.s32 $0xFFFFFFC0  }
0x17: {  	[hbm4b:s5+s7] =	stream.linear.scatter [tilespmem:s9], [sflag:$0x2], $0x100, $0x38;
	[tilespmem:$0x200] =	vst v63  }
0x18: {  	_ =	swait.ge [sflag:s6], $0x100  }
0x19: {  	s13 =	sadd.s32 $0xFFFFFFFF, s13;
	[sflag:s6] =	ssyncset.done $0x0  }
.LBB2_2:
0x1a: {  	p0 =	sne.s32 s13, $0x1;
	s13 =	sadd.s32 $0xFFFFFFFF, s13;
	[sflag:s6] =	ssyncadd.s32 $0xFFFFFF00  }
0x1b: {  	[tilespmem:s7], [sflag:$0x2] =	stream.linear.gather [hbm4b:s4+s7], $0x100, $0x38;
	[tilespmem:$0x200] =	vst v63  }
0x1c: {  	_ =	swait.ge [sflag:s6], $0x100  }
0x1d: {  	[sflag:s6] =	ssyncset.done $0x0  }
0x1e: {  	[sflag:s6] =	ssyncadd.s32 $0xFFFFFF00  }
0x1f: {  	[tilespmem:s9], [sflag:$0x1] =	stream.indirect.gather [hbm4b:s2+s8], $0x1, s7, s8, $0xb8;
	[tilespmem:$0x200] =	vst v63  }
0x20: {  	_ =	swait.ge [sflag:s10], $0x80  }
0x21: {  	[sflag:s10] =	ssyncset.done $0x0  }
0x22: {  	[sflag:s10] =	ssyncadd.s32 $0xFFFFFF80  }
0x23: {  	[tilespmem:s12], [sflag:$0x1] =	stream.indirect.gather [hbm4b:s3+s11], $0x1, s8, s11, $0xb8;
	[tilespmem:$0x200] =	vst v63  }
0x24: {  	_ =	swait.ge [sflag:s10], $0x40  }
.Ltmp2:
0x25: {  	[sflag:s10] =	ssyncset.done $0x0;
	(pc) =	sbr.rel @p0 .LBB2_2-.Ltmp2, $4  }
0x26: {  	[sflag:s10] =	ssyncadd.s32 $0xFFFFFFC0  }
0x27: {  	[hbm4b:s5+s7] =	stream.linear.scatter [tilespmem:s9], [sflag:$0x2], $0x100, $0x38;
	[tilespmem:$0x200] =	vst v63  }
0x28: {  	_ =	swait.ge [sflag:s6], $0x100  }
0x29: {  	[sflag:s6] =	ssyncset.done $0x0  }
.LBB2_3:
0x2a: {  	[sflag:s6] =	ssyncadd.s32 $0xFFFFFF00  }
.LBB2_4:
0x2b: {  	_ =	sfence.sel $0x180000  }
0x2c: {  	[bflag:$0x0] =	sbarrier.arrive $0xFFFF  }
0x2d: {  	p0 =	sne.s32 s0, $0x0;
	_ =	strace $0x90000047  }
0x2e: {  	s0 =	sadd.s32 @!p0 $0x100000, s1;
	[bflag:$0x2] =	sbarrier.arrive $0xFFFF  }
0x2f: {  	[sflag:s0] =	ssyncadd.tile.s32 @!p0 $0x1;
	_ =	shalt  }
.Lfunc_end2:
_tile_overlayer_lowered:
.L_overlay_start_2:
0x30: {  	(tag) =	ssettag $0x2  }
0x31: {  	s0 =	rddreg [dreg:$0x0];
	s2 =	stileid.u32  }
0x32: {  	s1 =	rddreg [dreg:$0x1];
	p0 =	sne.s32 s2, $0x0  }
0x33: {  	s3 =	rddreg [dreg:$0x2];
	[bflag:$0x3] =	sbarrier.arrive $0xFFFF;
	s2 =	simm.s32 @!p0 $0x1C02  }
0x34: {  	[timem:s3], [sflag:s2] =	dma.local @!p0 [hbm:s0], s1  }
0x35: {  	s0 =	simm.s32 @!p0 $0x2  }
0x36: {  	_ =	swait.ge @!p0 [sflag:s0], s1  }
0x37: {  	s1 =	ssub.s32 @!p0 $0x0, s1;
	[sflag:s0] =	ssyncset.done @!p0 $0x0  }
0x38: {  	[sflag:s0] =	ssyncadd.s32 @!p0 s1  }
0x39: {  	[bflag:$0x3] =	sbarrier.arrive $0xFFFF  }
0x3a: {  	_ =	shalt  }

</sc_bundles>
